<compile_context>
chip_gen: v7x
topology: tpu7x:2x2x1
jax: 0.10.2.dev20260603
libtpu: 0.0.44.dev20260713+nightly
codegen_flags: <defaults>
</compile_context>

<pallas_src>
import functools

import jax
import jax.numpy as jnp
from jax import lax
from jax.experimental import pallas as pl
from jax.experimental.pallas import tpu as pltpu
from jax.experimental.pallas import tpu_sc as plsc

D = 32
NT = 16384
H = 50
NC = 2
NS = 16
NW = NC * NS
TPW = NT // NW
CH = 128
NQ = TPW // CH


def _make_gather():
  mesh = plsc.VectorSubcoreMesh(core_axis_name="c", subcore_axis_name="s")

  @functools.partial(
      pl.kernel,
      mesh=mesh,
      compiler_params=pltpu.CompilerParams(
          use_tc_tiling_on_sc=False, needs_layout_passes=False
      ),
      out_type=jax.ShapeDtypeStruct((H, NT, D), jnp.float32),
      scratch_types=[
          pltpu.VMEM((TPW, H), jnp.int32),
          pltpu.VMEM((H, NQ, CH), jnp.int32),
          pltpu.VMEM((TPW, D), jnp.float32),
          pltpu.VMEM((TPW, D), jnp.float32),
          pltpu.SemaphoreType.DMA,
          pltpu.SemaphoreType.DMA,
          pltpu.SemaphoreType.DMA,
          pltpu.SemaphoreType.DMA,
      ],
  )
  def gather_kernel(tokens_hbm, table_hbm, out_hbm, idx_v, idx_t,
                    buf0, buf1, gsem0, gsem1, ssem0, ssem1):
    wid = lax.axis_index("s") * NC + lax.axis_index("c")
    b0 = wid * TPW
    bufs = (buf0, buf1)
    gsems = (gsem0, gsem1)
    ssems = (ssem0, ssem1)
    lanes = lax.iota(jnp.int32, 16)

    pltpu.sync_copy(tokens_hbm.at[pl.ds(b0, TPW)], idx_v)

    def idx_rows(h):
      for g in range(TPW // 16):
        v = plsc.load_gather(
            idx_v, [g * 16 + lanes, jnp.full((16,), h, jnp.int32)]
        )
        idx_t[h, g // 8, pl.ds((g % 8) * 16, 16)] = v
    pl.loop(0, H)(idx_rows)

    def fire(h, buf, gsem):
      for q in range(NQ):
        pltpu.make_async_copy(
            table_hbm.at[idx_t.at[h, q]],
            buf.at[pl.ds(q * CH, CH)],
            gsem,
        ).start()

    def drain_gathers(b):
      pltpu.make_async_copy(
          table_hbm.at[pl.ds(0, TPW)], bufs[b], gsems[b]
      ).wait()

    def pair(p):
      for b in range(2):
        h = p + b
        ob = 1 - b

        @pl.when(h >= 2)
        def _():
          pltpu.make_async_copy(
              bufs[b], out_hbm.at[0, pl.ds(0, TPW)], ssems[b]
          ).wait()

        fire(h, bufs[b], gsems[b])

        @pl.when(h >= 1)
        def _():
          drain_gathers(ob)
          pltpu.make_async_copy(
              bufs[ob], out_hbm.at[h - 1, pl.ds(b0, TPW)], ssems[ob]
          ).start()

    pl.loop(0, H, step=2)(pair)

    drain_gathers(1)
    final = pltpu.make_async_copy(
        bufs[1], out_hbm.at[H - 1, pl.ds(b0, TPW)], ssems[1]
    )
    final.start()
    pltpu.make_async_copy(
        bufs[0], out_hbm.at[0, pl.ds(0, TPW)], ssems[0]
    ).wait()
    final.wait()

  return gather_kernel


_gather = _make_gather()


def kernel(tokens, table):
  out_hmaj = _gather(tokens, table)
  return out_hmaj.transpose(1, 0, 2)

# --- scband reference (transcript-rebuilt; emitter-appended) ---
"""Pipeline reference for scband-vector-transform-10299331575833 (READ-ONLY COPY).

The authoritative reference and input builder live on the scoring server;
editing this copy changes nothing except your own understanding.
"""

import jax, jax.numpy as jnp
import numpy as np

NUM_EMBEDDINGS = 1000000
EMBED_DIM = 32
BATCH = 16384
HIST_LEN = 50

def setup_inputs(seed: int = 0) -> dict:
    key = jax.random.key(seed)
    k_idx, k_tab = jax.random.split(key)
    tokens = jax.random.randint(k_idx, (BATCH, HIST_LEN), 0, NUM_EMBEDDINGS, dtype=jnp.int64 if jax.config.jax_enable_x64 else jnp.int32)
    table = jax.random.normal(k_tab, (NUM_EMBEDDINGS, EMBED_DIM), dtype=jnp.float32) * 0.02
    return {"tokens": tokens, "table": table}

def reference(tokens, table):
    # VectorTransform.forward: vector.lookup_vectors(tokens) -> one embedding
    # row per token. String tokens are pre-mapped to integer ids here; the
    # lookup itself is a pure gather from the vector table.
    return jnp.take(table, tokens, axis=0)

if __name__ == "__main__":
    import jax
    _d = setup_inputs()
    print(jax.jit(kernel)(*tuple(_d.values())))

</pallas_src>

<mosaic_0001>
#map = affine_map<(d0, d1) -> (0, 0)>
#map1 = affine_map<(d0, d1) -> (0, 0, 0)>
module attributes {stable_mosaic.version = 14 : i64} {
  func.func @gather_kernel(%arg0: i32, %arg1: i32, %arg2: memref<16384x50xi32, #tpu.memory_space<hbm>>, %arg3: memref<1000000x32xf32, #tpu.memory_space<hbm>>, %arg4: memref<50x16384x32xf32, #tpu.memory_space<hbm>>, %arg5: memref<512x50xi32, #tpu.memory_space<vmem>>, %arg6: memref<50x4x128xi32, #tpu.memory_space<vmem>>, %arg7: memref<512x32xf32, #tpu.memory_space<vmem>>, %arg8: memref<512x32xf32, #tpu.memory_space<vmem>>, %arg9: memref<!tpu.dma_semaphore, #tpu.memory_space<semaphore_mem>>, %arg10: memref<!tpu.dma_semaphore, #tpu.memory_space<semaphore_mem>>, %arg11: memref<!tpu.dma_semaphore, #tpu.memory_space<semaphore_mem>>, %arg12: memref<!tpu.dma_semaphore, #tpu.memory_space<semaphore_mem>>) attributes {dimension_semantics = [#tpu.dimension_semantics<core_parallel>, #tpu.dimension_semantics<subcore_parallel>], iteration_bounds = array<i64: 2, 16>, scalar_prefetch = 0 : i64, scratch_operands = 8 : i64, tpu.core_type = #tpu.core_type<sc_vector_subcore>, window_params = [{transform_indices = #map}, {transform_indices = #map}, {transform_indices = #map1}]} {
    %mul3A = arith.constant 2 : i32
    %mul3A_0 = arith.muli %arg1, %mul3A : i32
    %add3A = arith.addi %mul3A_0, %arg0 : i32
    %mul3A_1 = arith.constant 512 : i32
    %mul3A_2 = arith.muli %add3A, %mul3A_1 : i32
    %iota3A = tpu.iota {dimensions = array<i32: 0>} : vector<16xi32>
    "tpu.region"() ({
      %run_scoped3A = tpu.sem_alloc : memref<!tpu.dma_semaphore, #tpu.memory_space<semaphore_mem>>
      %dma_start3A_39 = arith.constant 0 : i32
      %dma_start3A_40 = tpu.memref_slice %arg2[%mul3A_2, %dma_start3A_39] : memref<16384x50xi32, #tpu.memory_space<hbm>> -> memref<512x50xi32, #tpu.memory_space<hbm>>
      %dma_start3A_41 = arith.constant 0 : i32
      %dma_start3A_42 = tpu.memref_slice %arg2[%mul3A_2, %dma_start3A_41] : memref<16384x50xi32, #tpu.memory_space<hbm>> -> memref<512x50xi32, #tpu.memory_space<hbm>>
      tpu.enqueue_dma source(%dma_start3A_42 : memref<512x50xi32, #tpu.memory_space<hbm>>) target(%arg5 : memref<512x50xi32, #tpu.memory_space<vmem>>) target_semaphore(%run_scoped3A : memref<!tpu.dma_semaphore, #tpu.memory_space<semaphore_mem>>)
      %dma_wait3A_43 = arith.constant 0 : i32
      %dma_wait3A_44 = tpu.memref_slice %arg2[%mul3A_2, %dma_wait3A_43] : memref<16384x50xi32, #tpu.memory_space<hbm>> -> memref<512x50xi32, #tpu.memory_space<hbm>>
      %dma_wait3A_45 = arith.constant 0 : i32
      %dma_wait3A_46 = tpu.memref_slice %arg2[%mul3A_2, %dma_wait3A_45] : memref<16384x50xi32, #tpu.memory_space<hbm>> -> memref<512x50xi32, #tpu.memory_space<hbm>>
      tpu.wait_dma2 semaphore(%run_scoped3A : memref<!tpu.dma_semaphore, #tpu.memory_space<semaphore_mem>>) src(%dma_wait3A_46 : memref<512x50xi32, #tpu.memory_space<hbm>>) dst(%arg5 : memref<512x50xi32, #tpu.memory_space<vmem>>)
      tpu.yield
    }) : () -> ()
    %scan3A = arith.constant 0 : i32
    %scan3A_3 = arith.constant 50 : i32
    %scan3A_4 = arith.addi %scan3A, %scan3A_3 : i32
    %scan3A_5 = arith.constant 1 : i32
    scf.for %scan3A_39 = %scan3A to %scan3A_4 step %scan3A_5  : i32 {
      %mul3A_40 = arith.constant 1 : i32
      %mul3A_41 = arith.muli %scan3A_39, %mul3A_40 : i32
      %add3A_42 = arith.constant 0 : i32
      %add3A_43 = arith.addi %add3A_42, %mul3A_41 : i32
      %add3A_44 = arith.constant 0 : i32
      %add3A_45 = vector.broadcast %add3A_44 : i32 to vector<16xi32>
      %add3A_46 = arith.addi %add3A_45, %iota3A : vector<16xi32>
      %broadcast_in_dim3A = vector.broadcast %add3A_43 : i32 to vector<16xi32>
      %gather3A = tpu.vector_load_idx %arg5[%add3A_46, %broadcast_in_dim3A] : memref<512x50xi32, #tpu.memory_space<vmem>>[vector<16xi32>, vector<16xi32>], vector<16xi32>,
      %swap3A = arith.constant 0 : i32
      %swap3A_47 = arith.index_cast %add3A_43 : i32 to index
      %swap3A_48 = arith.index_cast %swap3A : i32 to index
      %swap3A_49 = arith.constant 0 : index
      %swap3A_50 = tpu.vector_load %arg6[%swap3A_47, %swap3A_48, %swap3A_49] {strides = array<i32>} : memref<50x4x128xi32, #tpu.memory_space<vmem>>, vector<16xi32>,
      tpu.vector_store %arg6[%swap3A_47, %swap3A_48, %swap3A_49], %gather3A {strides = array<i32>} : memref<50x4x128xi32, #tpu.memory_space<vmem>>, vector<16xi32>,
      %add3A_51 = arith.constant 16 : i32
      %add3A_52 = vector.broadcast %add3A_51 : i32 to vector<16xi32>
      %add3A_53 = arith.addi %add3A_52, %iota3A : vector<16xi32>
      %broadcast_in_dim3A_54 = vector.broadcast %add3A_43 : i32 to vector<16xi32>
      %gather3A_55 = tpu.vector_load_idx %arg5[%add3A_53, %broadcast_in_dim3A_54] : memref<512x50xi32, #tpu.memory_space<vmem>>[vector<16xi32>, vector<16xi32>], vector<16xi32>,
      %swap3A_56 = arith.constant 0 : i32
      %swap3A_57 = arith.index_cast %add3A_43 : i32 to index
      %swap3A_58 = arith.index_cast %swap3A_56 : i32 to index
      %swap3A_59 = arith.constant 16 : index
      %swap3A_60 = tpu.vector_load %arg6[%swap3A_57, %swap3A_58, %swap3A_59] {strides = array<i32>} : memref<50x4x128xi32, #tpu.memory_space<vmem>>, vector<16xi32>,
      tpu.vector_store %arg6[%swap3A_57, %swap3A_58, %swap3A_59], %gather3A_55 {strides = array<i32>} : memref<50x4x128xi32, #tpu.memory_space<vmem>>, vector<16xi32>,
      %add3A_61 = arith.constant 32 : i32
      %add3A_62 = vector.broadcast %add3A_61 : i32 to vector<16xi32>
      %add3A_63 = arith.addi %add3A_62, %iota3A : vector<16xi32>
      %broadcast_in_dim3A_64 = vector.broadcast %add3A_43 : i32 to vector<16xi32>
      %gather3A_65 = tpu.vector_load_idx %arg5[%add3A_63, %broadcast_in_dim3A_64] : memref<512x50xi32, #tpu.memory_space<vmem>>[vector<16xi32>, vector<16xi32>], vector<16xi32>,
      %swap3A_66 = arith.constant 0 : i32
      %swap3A_67 = arith.index_cast %add3A_43 : i32 to index
      %swap3A_68 = arith.index_cast %swap3A_66 : i32 to index
      %swap3A_69 = arith.constant 32 : index
      %swap3A_70 = tpu.vector_load %arg6[%swap3A_67, %swap3A_68, %swap3A_69] {strides = array<i32>} : memref<50x4x128xi32, #tpu.memory_space<vmem>>, vector<16xi32>,
      tpu.vector_store %arg6[%swap3A_67, %swap3A_68, %swap3A_69], %gather3A_65 {strides = array<i32>} : memref<50x4x128xi32, #tpu.memory_space<vmem>>, vector<16xi32>,
      %add3A_71 = arith.constant 48 : i32
      %add3A_72 = vector.broadcast %add3A_71 : i32 to vector<16xi32>
      %add3A_73 = arith.addi %add3A_72, %iota3A : vector<16xi32>
      %broadcast_in_dim3A_74 = vector.broadcast %add3A_43 : i32 to vector<16xi32>
      %gather3A_75 = tpu.vector_load_idx %arg5[%add3A_73, %broadcast_in_dim3A_74] : memref<512x50xi32, #tpu.memory_space<vmem>>[vector<16xi32>, vector<16xi32>], vector<16xi32>,
      %swap3A_76 = arith.constant 0 : i32
      %swap3A_77 = arith.index_cast %add3A_43 : i32 to index
      %swap3A_78 = arith.index_cast %swap3A_76 : i32 to index
      %swap3A_79 = arith.constant 48 : index
      %swap3A_80 = tpu.vector_load %arg6[%swap3A_77, %swap3A_78, %swap3A_79] {strides = array<i32>} : memref<50x4x128xi32, #tpu.memory_space<vmem>>, vector<16xi32>,
      tpu.vector_store %arg6[%swap3A_77, %swap3A_78, %swap3A_79], %gather3A_75 {strides = array<i32>} : memref<50x4x128xi32, #tpu.memory_space<vmem>>, vector<16xi32>,
      %add3A_81 = arith.constant 64 : i32
      %add3A_82 = vector.broadcast %add3A_81 : i32 to vector<16xi32>
      %add3A_83 = arith.addi %add3A_82, %iota3A : vector<16xi32>
      %broadcast_in_dim3A_84 = vector.broadcast %add3A_43 : i32 to vector<16xi32>
      %gather3A_85 = tpu.vector_load_idx %arg5[%add3A_83, %broadcast_in_dim3A_84] : memref<512x50xi32, #tpu.memory_space<vmem>>[vector<16xi32>, vector<16xi32>], vector<16xi32>,
      %swap3A_86 = arith.constant 0 : i32
      %swap3A_87 = arith.index_cast %add3A_43 : i32 to index
      %swap3A_88 = arith.index_cast %swap3A_86 : i32 to index
      %swap3A_89 = arith.constant 64 : index
      %swap3A_90 = tpu.vector_load %arg6[%swap3A_87, %swap3A_88, %swap3A_89] {strides = array<i32>} : memref<50x4x128xi32, #tpu.memory_space<vmem>>, vector<16xi32>,
      tpu.vector_store %arg6[%swap3A_87, %swap3A_88, %swap3A_89], %gather3A_85 {strides = array<i32>} : memref<50x4x128xi32, #tpu.memory_space<vmem>>, vector<16xi32>,
      %add3A_91 = arith.constant 80 : i32
      %add3A_92 = vector.broadcast %add3A_91 : i32 to vector<16xi32>
      %add3A_93 = arith.addi %add3A_92, %iota3A : vector<16xi32>
      %broadcast_in_dim3A_94 = vector.broadcast %add3A_43 : i32 to vector<16xi32>
      %gather3A_95 = tpu.vector_load_idx %arg5[%add3A_93, %broadcast_in_dim3A_94] : memref<512x50xi32, #tpu.memory_space<vmem>>[vector<16xi32>, vector<16xi32>], vector<16xi32>,
      %swap3A_96 = arith.constant 0 : i32
      %swap3A_97 = arith.index_cast %add3A_43 : i32 to index
      %swap3A_98 = arith.index_cast %swap3A_96 : i32 to index
      %swap3A_99 = arith.constant 80 : index
      %swap3A_100 = tpu.vector_load %arg6[%swap3A_97, %swap3A_98, %swap3A_99] {strides = array<i32>} : memref<50x4x128xi32, #tpu.memory_space<vmem>>, vector<16xi32>,
      tpu.vector_store %arg6[%swap3A_97, %swap3A_98, %swap3A_99], %gather3A_95 {strides = array<i32>} : memref<50x4x128xi32, #tpu.memory_space<vmem>>, vector<16xi32>,
      %add3A_101 = arith.constant 96 : i32
      %add3A_102 = vector.broadcast %add3A_101 : i32 to vector<16xi32>
      %add3A_103 = arith.addi %add3A_102, %iota3A : vector<16xi32>
      %broadcast_in_dim3A_104 = vector.broadcast %add3A_43 : i32 to vector<16xi32>
      %gather3A_105 = tpu.vector_load_idx %arg5[%add3A_103, %broadcast_in_dim3A_104] : memref<512x50xi32, #tpu.memory_space<vmem>>[vector<16xi32>, vector<16xi32>], vector<16xi32>,
      %swap3A_106 = arith.constant 0 : i32
      %swap3A_107 = arith.index_cast %add3A_43 : i32 to index
      %swap3A_108 = arith.index_cast %swap3A_106 : i32 to index
      %swap3A_109 = arith.constant 96 : index
      %swap3A_110 = tpu.vector_load %arg6[%swap3A_107, %swap3A_108, %swap3A_109] {strides = array<i32>} : memref<50x4x128xi32, #tpu.memory_space<vmem>>, vector<16xi32>,
      tpu.vector_store %arg6[%swap3A_107, %swap3A_108, %swap3A_109], %gather3A_105 {strides = array<i32>} : memref<50x4x128xi32, #tpu.memory_space<vmem>>, vector<16xi32>,
      %add3A_111 = arith.constant 112 : i32
      %add3A_112 = vector.broadcast %add3A_111 : i32 to vector<16xi32>
      %add3A_113 = arith.addi %add3A_112, %iota3A : vector<16xi32>
      %broadcast_in_dim3A_114 = vector.broadcast %add3A_43 : i32 to vector<16xi32>
      %gather3A_115 = tpu.vector_load_idx %arg5[%add3A_113, %broadcast_in_dim3A_114] : memref<512x50xi32, #tpu.memory_space<vmem>>[vector<16xi32>, vector<16xi32>], vector<16xi32>,
      %swap3A_116 = arith.constant 0 : i32
      %swap3A_117 = arith.index_cast %add3A_43 : i32 to index
      %swap3A_118 = arith.index_cast %swap3A_116 : i32 to index
      %swap3A_119 = arith.constant 112 : index
      %swap3A_120 = tpu.vector_load %arg6[%swap3A_117, %swap3A_118, %swap3A_119] {strides = array<i32>} : memref<50x4x128xi32, #tpu.memory_space<vmem>>, vector<16xi32>,
      tpu.vector_store %arg6[%swap3A_117, %swap3A_118, %swap3A_119], %gather3A_115 {strides = array<i32>} : memref<50x4x128xi32, #tpu.memory_space<vmem>>, vector<16xi32>,
      %add3A_121 = arith.constant 128 : i32
      %add3A_122 = vector.broadcast %add3A_121 : i32 to vector<16xi32>
      %add3A_123 = arith.addi %add3A_122, %iota3A : vector<16xi32>
      %broadcast_in_dim3A_124 = vector.broadcast %add3A_43 : i32 to vector<16xi32>
      %gather3A_125 = tpu.vector_load_idx %arg5[%add3A_123, %broadcast_in_dim3A_124] : memref<512x50xi32, #tpu.memory_space<vmem>>[vector<16xi32>, vector<16xi32>], vector<16xi32>,
      %swap3A_126 = arith.constant 1 : i32
      %swap3A_127 = arith.index_cast %add3A_43 : i32 to index
      %swap3A_128 = arith.index_cast %swap3A_126 : i32 to index
      %swap3A_129 = arith.constant 0 : index
      %swap3A_130 = tpu.vector_load %arg6[%swap3A_127, %swap3A_128, %swap3A_129] {strides = array<i32>} : memref<50x4x128xi32, #tpu.memory_space<vmem>>, vector<16xi32>,
      tpu.vector_store %arg6[%swap3A_127, %swap3A_128, %swap3A_129], %gather3A_125 {strides = array<i32>} : memref<50x4x128xi32, #tpu.memory_space<vmem>>, vector<16xi32>,
      %add3A_131 = arith.constant 144 : i32
      %add3A_132 = vector.broadcast %add3A_131 : i32 to vector<16xi32>
      %add3A_133 = arith.addi %add3A_132, %iota3A : vector<16xi32>
      %broadcast_in_dim3A_134 = vector.broadcast %add3A_43 : i32 to vector<16xi32>
      %gather3A_135 = tpu.vector_load_idx %arg5[%add3A_133, %broadcast_in_dim3A_134] : memref<512x50xi32, #tpu.memory_space<vmem>>[vector<16xi32>, vector<16xi32>], vector<16xi32>,
      %swap3A_136 = arith.constant 1 : i32
      %swap3A_137 = arith.index_cast %add3A_43 : i32 to index
      %swap3A_138 = arith.index_cast %swap3A_136 : i32 to index
      %swap3A_139 = arith.constant 16 : index
      %swap3A_140 = tpu.vector_load %arg6[%swap3A_137, %swap3A_138, %swap3A_139] {strides = array<i32>} : memref<50x4x128xi32, #tpu.memory_space<vmem>>, vector<16xi32>,
      tpu.vector_store %arg6[%swap3A_137, %swap3A_138, %swap3A_139], %gather3A_135 {strides = array<i32>} : memref<50x4x128xi32, #tpu.memory_space<vmem>>, vector<16xi32>,
      %add3A_141 = arith.constant 160 : i32
      %add3A_142 = vector.broadcast %add3A_141 : i32 to vector<16xi32>
      %add3A_143 = arith.addi %add3A_142, %iota3A : vector<16xi32>
      %broadcast_in_dim3A_144 = vector.broadcast %add3A_43 : i32 to vector<16xi32>
      %gather3A_145 = tpu.vector_load_idx %arg5[%add3A_143, %broadcast_in_dim3A_144] : memref<512x50xi32, #tpu.memory_space<vmem>>[vector<16xi32>, vector<16xi32>], vector<16xi32>,
      %swap3A_146 = arith.constant 1 : i32
      %swap3A_147 = arith.index_cast %add3A_43 : i32 to index
      %swap3A_148 = arith.index_cast %swap3A_146 : i32 to index
      %swap3A_149 = arith.constant 32 : index
      %swap3A_150 = tpu.vector_load %arg6[%swap3A_147, %swap3A_148, %swap3A_149] {strides = array<i32>} : memref<50x4x128xi32, #tpu.memory_space<vmem>>, vector<16xi32>,
      tpu.vector_store %arg6[%swap3A_147, %swap3A_148, %swap3A_149], %gather3A_145 {strides = array<i32>} : memref<50x4x128xi32, #tpu.memory_space<vmem>>, vector<16xi32>,
      %add3A_151 = arith.constant 176 : i32
      %add3A_152 = vector.broadcast %add3A_151 : i32 to vector<16xi32>
      %add3A_153 = arith.addi %add3A_152, %iota3A : vector<16xi32>
      %broadcast_in_dim3A_154 = vector.broadcast %add3A_43 : i32 to vector<16xi32>
      %gather3A_155 = tpu.vector_load_idx %arg5[%add3A_153, %broadcast_in_dim3A_154] : memref<512x50xi32, #tpu.memory_space<vmem>>[vector<16xi32>, vector<16xi32>], vector<16xi32>,
      %swap3A_156 = arith.constant 1 : i32
      %swap3A_157 = arith.index_cast %add3A_43 : i32 to index
      %swap3A_158 = arith.index_cast %swap3A_156 : i32 to index
      %swap3A_159 = arith.constant 48 : index
      %swap3A_160 = tpu.vector_load %arg6[%swap3A_157, %swap3A_158, %swap3A_159] {strides = array<i32>} : memref<50x4x128xi32, #tpu.memory_space<vmem>>, vector<16xi32>,
      tpu.vector_store %arg6[%swap3A_157, %swap3A_158, %swap3A_159], %gather3A_155 {strides = array<i32>} : memref<50x4x128xi32, #tpu.memory_space<vmem>>, vector<16xi32>,
      %add3A_161 = arith.constant 192 : i32
      %add3A_162 = vector.broadcast %add3A_161 : i32 to vector<16xi32>
      %add3A_163 = arith.addi %add3A_162, %iota3A : vector<16xi32>
      %broadcast_in_dim3A_164 = vector.broadcast %add3A_43 : i32 to vector<16xi32>
      %gather3A_165 = tpu.vector_load_idx %arg5[%add3A_163, %broadcast_in_dim3A_164] : memref<512x50xi32, #tpu.memory_space<vmem>>[vector<16xi32>, vector<16xi32>], vector<16xi32>,
      %swap3A_166 = arith.constant 1 : i32
      %swap3A_167 = arith.index_cast %add3A_43 : i32 to index
      %swap3A_168 = arith.index_cast %swap3A_166 : i32 to index
      %swap3A_169 = arith.constant 64 : index
      %swap3A_170 = tpu.vector_load %arg6[%swap3A_167, %swap3A_168, %swap3A_169] {strides = array<i32>} : memref<50x4x128xi32, #tpu.memory_space<vmem>>, vector<16xi32>,
      tpu.vector_store %arg6[%swap3A_167, %swap3A_168, %swap3A_169], %gather3A_165 {strides = array<i32>} : memref<50x4x128xi32, #tpu.memory_space<vmem>>, vector<16xi32>,
      %add3A_171 = arith.constant 208 : i32
      %add3A_172 = vector.broadcast %add3A_171 : i32 to vector<16xi32>
      %add3A_173 = arith.addi %add3A_172, %iota3A : vector<16xi32>
      %broadcast_in_dim3A_174 = vector.broadcast %add3A_43 : i32 to vector<16xi32>
      %gather3A_175 = tpu.vector_load_idx %arg5[%add3A_173, %broadcast_in_dim3A_174] : memref<512x50xi32, #tpu.memory_space<vmem>>[vector<16xi32>, vector<16xi32>], vector<16xi32>,
      %swap3A_176 = arith.constant 1 : i32
      %swap3A_177 = arith.index_cast %add3A_43 : i32 to index
      %swap3A_178 = arith.index_cast %swap3A_176 : i32 to index
      %swap3A_179 = arith.constant 80 : index
      %swap3A_180 = tpu.vector_load %arg6[%swap3A_177, %swap3A_178, %swap3A_179] {strides = array<i32>} : memref<50x4x128xi32, #tpu.memory_space<vmem>>, vector<16xi32>,
      tpu.vector_store %arg6[%swap3A_177, %swap3A_178, %swap3A_179], %gather3A_175 {strides = array<i32>} : memref<50x4x128xi32, #tpu.memory_space<vmem>>, vector<16xi32>,
      %add3A_181 = arith.constant 224 : i32
      %add3A_182 = vector.broadcast %add3A_181 : i32 to vector<16xi32>
      %add3A_183 = arith.addi %add3A_182, %iota3A : vector<16xi32>
      %broadcast_in_dim3A_184 = vector.broadcast %add3A_43 : i32 to vector<16xi32>
      %gather3A_185 = tpu.vector_load_idx %arg5[%add3A_183, %broadcast_in_dim3A_184] : memref<512x50xi32, #tpu.memory_space<vmem>>[vector<16xi32>, vector<16xi32>], vector<16xi32>,
      %swap3A_186 = arith.constant 1 : i32
      %swap3A_187 = arith.index_cast %add3A_43 : i32 to index
      %swap3A_188 = arith.index_cast %swap3A_186 : i32 to index
      %swap3A_189 = arith.constant 96 : index
      %swap3A_190 = tpu.vector_load %arg6[%swap3A_187, %swap3A_188, %swap3A_189] {strides = array<i32>} : memref<50x4x128xi32, #tpu.memory_space<vmem>>, vector<16xi32>,
      tpu.vector_store %arg6[%swap3A_187, %swap3A_188, %swap3A_189], %gather3A_185 {strides = array<i32>} : memref<50x4x128xi32, #tpu.memory_space<vmem>>, vector<16xi32>,
      %add3A_191 = arith.constant 240 : i32
      %add3A_192 = vector.broadcast %add3A_191 : i32 to vector<16xi32>
      %add3A_193 = arith.addi %add3A_192, %iota3A : vector<16xi32>
      %broadcast_in_dim3A_194 = vector.broadcast %add3A_43 : i32 to vector<16xi32>
      %gather3A_195 = tpu.vector_load_idx %arg5[%add3A_193, %broadcast_in_dim3A_194] : memref<512x50xi32, #tpu.memory_space<vmem>>[vector<16xi32>, vector<16xi32>], vector<16xi32>,
      %swap3A_196 = arith.constant 1 : i32
      %swap3A_197 = arith.index_cast %add3A_43 : i32 to index
      %swap3A_198 = arith.index_cast %swap3A_196 : i32 to index
      %swap3A_199 = arith.constant 112 : index
      %swap3A_200 = tpu.vector_load %arg6[%swap3A_197, %swap3A_198, %swap3A_199] {strides = array<i32>} : memref<50x4x128xi32, #tpu.memory_space<vmem>>, vector<16xi32>,
      tpu.vector_store %arg6[%swap3A_197, %swap3A_198, %swap3A_199], %gather3A_195 {strides = array<i32>} : memref<50x4x128xi32, #tpu.memory_space<vmem>>, vector<16xi32>,
      %add3A_201 = arith.constant 256 : i32
      %add3A_202 = vector.broadcast %add3A_201 : i32 to vector<16xi32>
      %add3A_203 = arith.addi %add3A_202, %iota3A : vector<16xi32>
      %broadcast_in_dim3A_204 = vector.broadcast %add3A_43 : i32 to vector<16xi32>
      %gather3A_205 = tpu.vector_load_idx %arg5[%add3A_203, %broadcast_in_dim3A_204] : memref<512x50xi32, #tpu.memory_space<vmem>>[vector<16xi32>, vector<16xi32>], vector<16xi32>,
      %swap3A_206 = arith.constant 2 : i32
      %swap3A_207 = arith.index_cast %add3A_43 : i32 to index
      %swap3A_208 = arith.index_cast %swap3A_206 : i32 to index
      %swap3A_209 = arith.constant 0 : index
      %swap3A_210 = tpu.vector_load %arg6[%swap3A_207, %swap3A_208, %swap3A_209] {strides = array<i32>} : memref<50x4x128xi32, #tpu.memory_space<vmem>>, vector<16xi32>,
      tpu.vector_store %arg6[%swap3A_207, %swap3A_208, %swap3A_209], %gather3A_205 {strides = array<i32>} : memref<50x4x128xi32, #tpu.memory_space<vmem>>, vector<16xi32>,
      %add3A_211 = arith.constant 272 : i32
      %add3A_212 = vector.broadcast %add3A_211 : i32 to vector<16xi32>
      %add3A_213 = arith.addi %add3A_212, %iota3A : vector<16xi32>
      %broadcast_in_dim3A_214 = vector.broadcast %add3A_43 : i32 to vector<16xi32>
      %gather3A_215 = tpu.vector_load_idx %arg5[%add3A_213, %broadcast_in_dim3A_214] : memref<512x50xi32, #tpu.memory_space<vmem>>[vector<16xi32>, vector<16xi32>], vector<16xi32>,
      %swap3A_216 = arith.constant 2 : i32
      %swap3A_217 = arith.index_cast %add3A_43 : i32 to index
      %swap3A_218 = arith.index_cast %swap3A_216 : i32 to index
      %swap3A_219 = arith.constant 16 : index
      %swap3A_220 = tpu.vector_load %arg6[%swap3A_217, %swap3A_218, %swap3A_219] {strides = array<i32>} : memref<50x4x128xi32, #tpu.memory_space<vmem>>, vector<16xi32>,
      tpu.vector_store %arg6[%swap3A_217, %swap3A_218, %swap3A_219], %gather3A_215 {strides = array<i32>} : memref<50x4x128xi32, #tpu.memory_space<vmem>>, vector<16xi32>,
      %add3A_221 = arith.constant 288 : i32
      %add3A_222 = vector.broadcast %add3A_221 : i32 to vector<16xi32>
      %add3A_223 = arith.addi %add3A_222, %iota3A : vector<16xi32>
      %broadcast_in_dim3A_224 = vector.broadcast %add3A_43 : i32 to vector<16xi32>
      %gather3A_225 = tpu.vector_load_idx %arg5[%add3A_223, %broadcast_in_dim3A_224] : memref<512x50xi32, #tpu.memory_space<vmem>>[vector<16xi32>, vector<16xi32>], vector<16xi32>,
      %swap3A_226 = arith.constant 2 : i32
      %swap3A_227 = arith.index_cast %add3A_43 : i32 to index
      %swap3A_228 = arith.index_cast %swap3A_226 : i32 to index
      %swap3A_229 = arith.constant 32 : index
      %swap3A_230 = tpu.vector_load %arg6[%swap3A_227, %swap3A_228, %swap3A_229] {strides = array<i32>} : memref<50x4x128xi32, #tpu.memory_space<vmem>>, vector<16xi32>,
      tpu.vector_store %arg6[%swap3A_227, %swap3A_228, %swap3A_229], %gather3A_225 {strides = array<i32>} : memref<50x4x128xi32, #tpu.memory_space<vmem>>, vector<16xi32>,
      %add3A_231 = arith.constant 304 : i32
      %add3A_232 = vector.broadcast %add3A_231 : i32 to vector<16xi32>
      %add3A_233 = arith.addi %add3A_232, %iota3A : vector<16xi32>
      %broadcast_in_dim3A_234 = vector.broadcast %add3A_43 : i32 to vector<16xi32>
      %gather3A_235 = tpu.vector_load_idx %arg5[%add3A_233, %broadcast_in_dim3A_234] : memref<512x50xi32, #tpu.memory_space<vmem>>[vector<16xi32>, vector<16xi32>], vector<16xi32>,
      %swap3A_236 = arith.constant 2 : i32
      %swap3A_237 = arith.index_cast %add3A_43 : i32 to index
      %swap3A_238 = arith.index_cast %swap3A_236 : i32 to index
      %swap3A_239 = arith.constant 48 : index
      %swap3A_240 = tpu.vector_load %arg6[%swap3A_237, %swap3A_238, %swap3A_239] {strides = array<i32>} : memref<50x4x128xi32, #tpu.memory_space<vmem>>, vector<16xi32>,
      tpu.vector_store %arg6[%swap3A_237, %swap3A_238, %swap3A_239], %gather3A_235 {strides = array<i32>} : memref<50x4x128xi32, #tpu.memory_space<vmem>>, vector<16xi32>,
      %add3A_241 = arith.constant 320 : i32
      %add3A_242 = vector.broadcast %add3A_241 : i32 to vector<16xi32>
      %add3A_243 = arith.addi %add3A_242, %iota3A : vector<16xi32>
      %broadcast_in_dim3A_244 = vector.broadcast %add3A_43 : i32 to vector<16xi32>
      %gather3A_245 = tpu.vector_load_idx %arg5[%add3A_243, %broadcast_in_dim3A_244] : memref<512x50xi32, #tpu.memory_space<vmem>>[vector<16xi32>, vector<16xi32>], vector<16xi32>,
      %swap3A_246 = arith.constant 2 : i32
      %swap3A_247 = arith.index_cast %add3A_43 : i32 to index
      %swap3A_248 = arith.index_cast %swap3A_246 : i32 to index
      %swap3A_249 = arith.constant 64 : index
      %swap3A_250 = tpu.vector_load %arg6[%swap3A_247, %swap3A_248, %swap3A_249] {strides = array<i32>} : memref<50x4x128xi32, #tpu.memory_space<vmem>>, vector<16xi32>,
      tpu.vector_store %arg6[%swap3A_247, %swap3A_248, %swap3A_249], %gather3A_245 {strides = array<i32>} : memref<50x4x128xi32, #tpu.memory_space<vmem>>, vector<16xi32>,
      %add3A_251 = arith.constant 336 : i32
      %add3A_252 = vector.broadcast %add3A_251 : i32 to vector<16xi32>
      %add3A_253 = arith.addi %add3A_252, %iota3A : vector<16xi32>
      %broadcast_in_dim3A_254 = vector.broadcast %add3A_43 : i32 to vector<16xi32>
      %gather3A_255 = tpu.vector_load_idx %arg5[%add3A_253, %broadcast_in_dim3A_254] : memref<512x50xi32, #tpu.memory_space<vmem>>[vector<16xi32>, vector<16xi32>], vector<16xi32>,
      %swap3A_256 = arith.constant 2 : i32
      %swap3A_257 = arith.index_cast %add3A_43 : i32 to index
      %swap3A_258 = arith.index_cast %swap3A_256 : i32 to index
      %swap3A_259 = arith.constant 80 : index
      %swap3A_260 = tpu.vector_load %arg6[%swap3A_257, %swap3A_258, %swap3A_259] {strides = array<i32>} : memref<50x4x128xi32, #tpu.memory_space<vmem>>, vector<16xi32>,
      tpu.vector_store %arg6[%swap3A_257, %swap3A_258, %swap3A_259], %gather3A_255 {strides = array<i32>} : memref<50x4x128xi32, #tpu.memory_space<vmem>>, vector<16xi32>,
      %add3A_261 = arith.constant 352 : i32
      %add3A_262 = vector.broadcast %add3A_261 : i32 to vector<16xi32>
      %add3A_263 = arith.addi %add3A_262, %iota3A : vector<16xi32>
      %broadcast_in_dim3A_264 = vector.broadcast %add3A_43 : i32 to vector<16xi32>
      %gather3A_265 = tpu.vector_load_idx %arg5[%add3A_263, %broadcast_in_dim3A_264] : memref<512x50xi32, #tpu.memory_space<vmem>>[vector<16xi32>, vector<16xi32>], vector<16xi32>,
      %swap3A_266 = arith.constant 2 : i32
      %swap3A_267 = arith.index_cast %add3A_43 : i32 to index
      %swap3A_268 = arith.index_cast %swap3A_266 : i32 to index
      %swap3A_269 = arith.constant 96 : index
      %swap3A_270 = tpu.vector_load %arg6[%swap3A_267, %swap3A_268, %swap3A_269] {strides = array<i32>} : memref<50x4x128xi32, #tpu.memory_space<vmem>>, vector<16xi32>,
      tpu.vector_store %arg6[%swap3A_267, %swap3A_268, %swap3A_269], %gather3A_265 {strides = array<i32>} : memref<50x4x128xi32, #tpu.memory_space<vmem>>, vector<16xi32>,
      %add3A_271 = arith.constant 368 : i32
      %add3A_272 = vector.broadcast %add3A_271 : i32 to vector<16xi32>
      %add3A_273 = arith.addi %add3A_272, %iota3A : vector<16xi32>
      %broadcast_in_dim3A_274 = vector.broadcast %add3A_43 : i32 to vector<16xi32>
      %gather3A_275 = tpu.vector_load_idx %arg5[%add3A_273, %broadcast_in_dim3A_274] : memref<512x50xi32, #tpu.memory_space<vmem>>[vector<16xi32>, vector<16xi32>], vector<16xi32>,
      %swap3A_276 = arith.constant 2 : i32
      %swap3A_277 = arith.index_cast %add3A_43 : i32 to index
      %swap3A_278 = arith.index_cast %swap3A_276 : i32 to index
      %swap3A_279 = arith.constant 112 : index
      %swap3A_280 = tpu.vector_load %arg6[%swap3A_277, %swap3A_278, %swap3A_279] {strides = array<i32>} : memref<50x4x128xi32, #tpu.memory_space<vmem>>, vector<16xi32>,
      tpu.vector_store %arg6[%swap3A_277, %swap3A_278, %swap3A_279], %gather3A_275 {strides = array<i32>} : memref<50x4x128xi32, #tpu.memory_space<vmem>>, vector<16xi32>,
      %add3A_281 = arith.constant 384 : i32
      %add3A_282 = vector.broadcast %add3A_281 : i32 to vector<16xi32>
      %add3A_283 = arith.addi %add3A_282, %iota3A : vector<16xi32>
      %broadcast_in_dim3A_284 = vector.broadcast %add3A_43 : i32 to vector<16xi32>
      %gather3A_285 = tpu.vector_load_idx %arg5[%add3A_283, %broadcast_in_dim3A_284] : memref<512x50xi32, #tpu.memory_space<vmem>>[vector<16xi32>, vector<16xi32>], vector<16xi32>,
      %swap3A_286 = arith.constant 3 : i32
      %swap3A_287 = arith.index_cast %add3A_43 : i32 to index
      %swap3A_288 = arith.index_cast %swap3A_286 : i32 to index
      %swap3A_289 = arith.constant 0 : index
      %swap3A_290 = tpu.vector_load %arg6[%swap3A_287, %swap3A_288, %swap3A_289] {strides = array<i32>} : memref<50x4x128xi32, #tpu.memory_space<vmem>>, vector<16xi32>,
      tpu.vector_store %arg6[%swap3A_287, %swap3A_288, %swap3A_289], %gather3A_285 {strides = array<i32>} : memref<50x4x128xi32, #tpu.memory_space<vmem>>, vector<16xi32>,
      %add3A_291 = arith.constant 400 : i32
      %add3A_292 = vector.broadcast %add3A_291 : i32 to vector<16xi32>
      %add3A_293 = arith.addi %add3A_292, %iota3A : vector<16xi32>
      %broadcast_in_dim3A_294 = vector.broadcast %add3A_43 : i32 to vector<16xi32>
      %gather3A_295 = tpu.vector_load_idx %arg5[%add3A_293, %broadcast_in_dim3A_294] : memref<512x50xi32, #tpu.memory_space<vmem>>[vector<16xi32>, vector<16xi32>], vector<16xi32>,
      %swap3A_296 = arith.constant 3 : i32
      %swap3A_297 = arith.index_cast %add3A_43 : i32 to index
      %swap3A_298 = arith.index_cast %swap3A_296 : i32 to index
      %swap3A_299 = arith.constant 16 : index
      %swap3A_300 = tpu.vector_load %arg6[%swap3A_297, %swap3A_298, %swap3A_299] {strides = array<i32>} : memref<50x4x128xi32, #tpu.memory_space<vmem>>, vector<16xi32>,
      tpu.vector_store %arg6[%swap3A_297, %swap3A_298, %swap3A_299], %gather3A_295 {strides = array<i32>} : memref<50x4x128xi32, #tpu.memory_space<vmem>>, vector<16xi32>,
      %add3A_301 = arith.constant 416 : i32
      %add3A_302 = vector.broadcast %add3A_301 : i32 to vector<16xi32>
      %add3A_303 = arith.addi %add3A_302, %iota3A : vector<16xi32>
      %broadcast_in_dim3A_304 = vector.broadcast %add3A_43 : i32 to vector<16xi32>
      %gather3A_305 = tpu.vector_load_idx %arg5[%add3A_303, %broadcast_in_dim3A_304] : memref<512x50xi32, #tpu.memory_space<vmem>>[vector<16xi32>, vector<16xi32>], vector<16xi32>,
      %swap3A_306 = arith.constant 3 : i32
      %swap3A_307 = arith.index_cast %add3A_43 : i32 to index
      %swap3A_308 = arith.index_cast %swap3A_306 : i32 to index
      %swap3A_309 = arith.constant 32 : index
      %swap3A_310 = tpu.vector_load %arg6[%swap3A_307, %swap3A_308, %swap3A_309] {strides = array<i32>} : memref<50x4x128xi32, #tpu.memory_space<vmem>>, vector<16xi32>,
      tpu.vector_store %arg6[%swap3A_307, %swap3A_308, %swap3A_309], %gather3A_305 {strides = array<i32>} : memref<50x4x128xi32, #tpu.memory_space<vmem>>, vector<16xi32>,
      %add3A_311 = arith.constant 432 : i32
      %add3A_312 = vector.broadcast %add3A_311 : i32 to vector<16xi32>
      %add3A_313 = arith.addi %add3A_312, %iota3A : vector<16xi32>
      %broadcast_in_dim3A_314 = vector.broadcast %add3A_43 : i32 to vector<16xi32>
      %gather3A_315 = tpu.vector_load_idx %arg5[%add3A_313, %broadcast_in_dim3A_314] : memref<512x50xi32, #tpu.memory_space<vmem>>[vector<16xi32>, vector<16xi32>], vector<16xi32>,
      %swap3A_316 = arith.constant 3 : i32
      %swap3A_317 = arith.index_cast %add3A_43 : i32 to index
      %swap3A_318 = arith.index_cast %swap3A_316 : i32 to index
      %swap3A_319 = arith.constant 48 : index
      %swap3A_320 = tpu.vector_load %arg6[%swap3A_317, %swap3A_318, %swap3A_319] {strides = array<i32>} : memref<50x4x128xi32, #tpu.memory_space<vmem>>, vector<16xi32>,
      tpu.vector_store %arg6[%swap3A_317, %swap3A_318, %swap3A_319], %gather3A_315 {strides = array<i32>} : memref<50x4x128xi32, #tpu.memory_space<vmem>>, vector<16xi32>,
      %add3A_321 = arith.constant 448 : i32
      %add3A_322 = vector.broadcast %add3A_321 : i32 to vector<16xi32>
      %add3A_323 = arith.addi %add3A_322, %iota3A : vector<16xi32>
      %broadcast_in_dim3A_324 = vector.broadcast %add3A_43 : i32 to vector<16xi32>
      %gather3A_325 = tpu.vector_load_idx %arg5[%add3A_323, %broadcast_in_dim3A_324] : memref<512x50xi32, #tpu.memory_space<vmem>>[vector<16xi32>, vector<16xi32>], vector<16xi32>,
      %swap3A_326 = arith.constant 3 : i32
      %swap3A_327 = arith.index_cast %add3A_43 : i32 to index
      %swap3A_328 = arith.index_cast %swap3A_326 : i32 to index
      %swap3A_329 = arith.constant 64 : index
      %swap3A_330 = tpu.vector_load %arg6[%swap3A_327, %swap3A_328, %swap3A_329] {strides = array<i32>} : memref<50x4x128xi32, #tpu.memory_space<vmem>>, vector<16xi32>,
      tpu.vector_store %arg6[%swap3A_327, %swap3A_328, %swap3A_329], %gather3A_325 {strides = array<i32>} : memref<50x4x128xi32, #tpu.memory_space<vmem>>, vector<16xi32>,
      %add3A_331 = arith.constant 464 : i32
      %add3A_332 = vector.broadcast %add3A_331 : i32 to vector<16xi32>
      %add3A_333 = arith.addi %add3A_332, %iota3A : vector<16xi32>
      %broadcast_in_dim3A_334 = vector.broadcast %add3A_43 : i32 to vector<16xi32>
      %gather3A_335 = tpu.vector_load_idx %arg5[%add3A_333, %broadcast_in_dim3A_334] : memref<512x50xi32, #tpu.memory_space<vmem>>[vector<16xi32>, vector<16xi32>], vector<16xi32>,
      %swap3A_336 = arith.constant 3 : i32
      %swap3A_337 = arith.index_cast %add3A_43 : i32 to index
      %swap3A_338 = arith.index_cast %swap3A_336 : i32 to index
      %swap3A_339 = arith.constant 80 : index
      %swap3A_340 = tpu.vector_load %arg6[%swap3A_337, %swap3A_338, %swap3A_339] {strides = array<i32>} : memref<50x4x128xi32, #tpu.memory_space<vmem>>, vector<16xi32>,
      tpu.vector_store %arg6[%swap3A_337, %swap3A_338, %swap3A_339], %gather3A_335 {strides = array<i32>} : memref<50x4x128xi32, #tpu.memory_space<vmem>>, vector<16xi32>,
      %add3A_341 = arith.constant 480 : i32
      %add3A_342 = vector.broadcast %add3A_341 : i32 to vector<16xi32>
      %add3A_343 = arith.addi %add3A_342, %iota3A : vector<16xi32>
      %broadcast_in_dim3A_344 = vector.broadcast %add3A_43 : i32 to vector<16xi32>
      %gather3A_345 = tpu.vector_load_idx %arg5[%add3A_343, %broadcast_in_dim3A_344] : memref<512x50xi32, #tpu.memory_space<vmem>>[vector<16xi32>, vector<16xi32>], vector<16xi32>,
      %swap3A_346 = arith.constant 3 : i32
      %swap3A_347 = arith.index_cast %add3A_43 : i32 to index
      %swap3A_348 = arith.index_cast %swap3A_346 : i32 to index
      %swap3A_349 = arith.constant 96 : index
      %swap3A_350 = tpu.vector_load %arg6[%swap3A_347, %swap3A_348, %swap3A_349] {strides = array<i32>} : memref<50x4x128xi32, #tpu.memory_space<vmem>>, vector<16xi32>,
      tpu.vector_store %arg6[%swap3A_347, %swap3A_348, %swap3A_349], %gather3A_345 {strides = array<i32>} : memref<50x4x128xi32, #tpu.memory_space<vmem>>, vector<16xi32>,
      %add3A_351 = arith.constant 496 : i32
      %add3A_352 = vector.broadcast %add3A_351 : i32 to vector<16xi32>
      %add3A_353 = arith.addi %add3A_352, %iota3A : vector<16xi32>
      %broadcast_in_dim3A_354 = vector.broadcast %add3A_43 : i32 to vector<16xi32>
      %gather3A_355 = tpu.vector_load_idx %arg5[%add3A_353, %broadcast_in_dim3A_354] : memref<512x50xi32, #tpu.memory_space<vmem>>[vector<16xi32>, vector<16xi32>], vector<16xi32>,
      %swap3A_356 = arith.constant 3 : i32
      %swap3A_357 = arith.index_cast %add3A_43 : i32 to index
      %swap3A_358 = arith.index_cast %swap3A_356 : i32 to index
      %swap3A_359 = arith.constant 112 : index
      %swap3A_360 = tpu.vector_load %arg6[%swap3A_357, %swap3A_358, %swap3A_359] {strides = array<i32>} : memref<50x4x128xi32, #tpu.memory_space<vmem>>, vector<16xi32>,
      tpu.vector_store %arg6[%swap3A_357, %swap3A_358, %swap3A_359], %gather3A_355 {strides = array<i32>} : memref<50x4x128xi32, #tpu.memory_space<vmem>>, vector<16xi32>,
    }
    %scan3A_6 = arith.constant 50 : i32
    %scan3A_7 = arith.constant 0 : i32
    %scan3A_8 = arith.constant 25 : i32
    %scan3A_9 = arith.addi %scan3A_7, %scan3A_8 : i32
    %scan3A_10 = arith.constant 1 : i32
    scf.for %scan3A_39 = %scan3A_7 to %scan3A_9 step %scan3A_10  : i32 {
      %mul3A_40 = arith.constant 2 : i32
      %mul3A_41 = arith.muli %scan3A_39, %mul3A_40 : i32
      %add3A_42 = arith.constant 0 : i32
      %add3A_43 = arith.addi %add3A_42, %mul3A_41 : i32
      %add3A_44 = arith.constant 0 : i32
      %add3A_45 = arith.addi %add3A_43, %add3A_44 : i32
      %ge3A = arith.constant 2 : i32
      %ge3A_46 = arith.cmpi sge, %add3A_45, %ge3A : i32
      %convert_element_type3A = arith.extui %ge3A_46 : i1 to i32
      %cond3A = arith.constant 0 : i32
      %cond3A_47 = arith.cmpi ne, %convert_element_type3A, %cond3A : i32
      scf.if %cond3A_47 {
        %dma_wait3A_145 = arith.constant 0 : i32
        %dma_wait3A_146 = arith.constant 0 : i32
        %dma_wait3A_147 = arith.constant 0 : i32
        %dma_wait3A_148 = tpu.memref_slice %arg4[%dma_wait3A_145, %dma_wait3A_146, %dma_wait3A_147] : memref<50x16384x32xf32, #tpu.memory_space<hbm>> -> memref<1x512x32xf32, #tpu.memory_space<hbm>>
        %dma_wait3A_149 = tpu.memref_squeeze %dma_wait3A_148 : memref<1x512x32xf32, #tpu.memory_space<hbm>> -> memref<512x32xf32, #tpu.memory_space<hbm>>
        %dma_wait3A_150 = arith.constant 0 : i32
        %dma_wait3A_151 = arith.constant 0 : i32
        %dma_wait3A_152 = tpu.memref_slice %arg4[%dma_wait3A_145, %dma_wait3A_150, %dma_wait3A_151] : memref<50x16384x32xf32, #tpu.memory_space<hbm>> -> memref<1x512x32xf32, #tpu.memory_space<hbm>>
        %dma_wait3A_153 = tpu.memref_squeeze %dma_wait3A_152 : memref<1x512x32xf32, #tpu.memory_space<hbm>> -> memref<512x32xf32, #tpu.memory_space<hbm>>
        tpu.wait_dma2 semaphore(%arg11 : memref<!tpu.dma_semaphore, #tpu.memory_space<semaphore_mem>>) src(%arg7 : memref<512x32xf32, #tpu.memory_space<vmem>>) dst(%dma_wait3A_153 : memref<512x32xf32, #tpu.memory_space<hbm>>)
      } else {
      }
      %dma_start3A_48 = arith.constant 0 : i32
      %dma_start3A_49 = arith.constant 0 : i32
      %dma_start3A_50 = arith.constant 0 : i32
      %dma_start3A_51 = tpu.memref_slice %arg7[%dma_start3A_49, %dma_start3A_50] : memref<512x32xf32, #tpu.memory_space<vmem>> -> memref<128x32xf32, #tpu.memory_space<vmem>>
      %dma_start3A_52 = arith.constant 0 : i32
      %dma_start3A_53 = tpu.memref_slice %arg6[%add3A_45, %dma_start3A_48, %dma_start3A_52] : memref<50x4x128xi32, #tpu.memory_space<vmem>> -> memref<1x1x128xi32, #tpu.memory_space<vmem>>
      %dma_start3A_54 = tpu.memref_squeeze %dma_start3A_53 : memref<1x1x128xi32, #tpu.memory_space<vmem>> -> memref<128xi32, #tpu.memory_space<vmem>>
      %dma_start3A_55 = arith.constant 0 : i32
      %dma_start3A_56 = arith.constant 0 : i32
      %dma_start3A_57 = tpu.memref_slice %arg3[%dma_start3A_55, %dma_start3A_56] : memref<1000000x32xf32, #tpu.memory_space<hbm>> -> memref<1000000x32xf32, #tpu.memory_space<hbm>>
      tpu.enqueue_indirect_dma source(%dma_start3A_57 : memref<1000000x32xf32, #tpu.memory_space<hbm>>) target(%dma_start3A_51 : memref<128x32xf32, #tpu.memory_space<vmem>>) offsets(%dma_start3A_54 : memref<128xi32, #tpu.memory_space<vmem>>) semaphore(%arg9 : memref<!tpu.dma_semaphore, #tpu.memory_space<semaphore_mem>>)
      %dma_start3A_58 = arith.constant 1 : i32
      %dma_start3A_59 = arith.constant 128 : i32
      %dma_start3A_60 = arith.constant 0 : i32
      %dma_start3A_61 = tpu.memref_slice %arg7[%dma_start3A_59, %dma_start3A_60] : memref<512x32xf32, #tpu.memory_space<vmem>> -> memref<128x32xf32, #tpu.memory_space<vmem>>
      %dma_start3A_62 = arith.constant 0 : i32
      %dma_start3A_63 = tpu.memref_slice %arg6[%add3A_45, %dma_start3A_58, %dma_start3A_62] : memref<50x4x128xi32, #tpu.memory_space<vmem>> -> memref<1x1x128xi32, #tpu.memory_space<vmem>>
      %dma_start3A_64 = tpu.memref_squeeze %dma_start3A_63 : memref<1x1x128xi32, #tpu.memory_space<vmem>> -> memref<128xi32, #tpu.memory_space<vmem>>
      %dma_start3A_65 = arith.constant 0 : i32
      %dma_start3A_66 = arith.constant 0 : i32
      %dma_start3A_67 = tpu.memref_slice %arg3[%dma_start3A_65, %dma_start3A_66] : memref<1000000x32xf32, #tpu.memory_space<hbm>> -> memref<1000000x32xf32, #tpu.memory_space<hbm>>
      tpu.enqueue_indirect_dma source(%dma_start3A_67 : memref<1000000x32xf32, #tpu.memory_space<hbm>>) target(%dma_start3A_61 : memref<128x32xf32, #tpu.memory_space<vmem>>) offsets(%dma_start3A_64 : memref<128xi32, #tpu.memory_space<vmem>>) semaphore(%arg9 : memref<!tpu.dma_semaphore, #tpu.memory_space<semaphore_mem>>)
      %dma_start3A_68 = arith.constant 2 : i32
      %dma_start3A_69 = arith.constant 256 : i32
      %dma_start3A_70 = arith.constant 0 : i32
      %dma_start3A_71 = tpu.memref_slice %arg7[%dma_start3A_69, %dma_start3A_70] : memref<512x32xf32, #tpu.memory_space<vmem>> -> memref<128x32xf32, #tpu.memory_space<vmem>>
      %dma_start3A_72 = arith.constant 0 : i32
      %dma_start3A_73 = tpu.memref_slice %arg6[%add3A_45, %dma_start3A_68, %dma_start3A_72] : memref<50x4x128xi32, #tpu.memory_space<vmem>> -> memref<1x1x128xi32, #tpu.memory_space<vmem>>
      %dma_start3A_74 = tpu.memref_squeeze %dma_start3A_73 : memref<1x1x128xi32, #tpu.memory_space<vmem>> -> memref<128xi32, #tpu.memory_space<vmem>>
      %dma_start3A_75 = arith.constant 0 : i32
      %dma_start3A_76 = arith.constant 0 : i32
      %dma_start3A_77 = tpu.memref_slice %arg3[%dma_start3A_75, %dma_start3A_76] : memref<1000000x32xf32, #tpu.memory_space<hbm>> -> memref<1000000x32xf32, #tpu.memory_space<hbm>>
      tpu.enqueue_indirect_dma source(%dma_start3A_77 : memref<1000000x32xf32, #tpu.memory_space<hbm>>) target(%dma_start3A_71 : memref<128x32xf32, #tpu.memory_space<vmem>>) offsets(%dma_start3A_74 : memref<128xi32, #tpu.memory_space<vmem>>) semaphore(%arg9 : memref<!tpu.dma_semaphore, #tpu.memory_space<semaphore_mem>>)
      %dma_start3A_78 = arith.constant 3 : i32
      %dma_start3A_79 = arith.constant 384 : i32
      %dma_start3A_80 = arith.constant 0 : i32
      %dma_start3A_81 = tpu.memref_slice %arg7[%dma_start3A_79, %dma_start3A_80] : memref<512x32xf32, #tpu.memory_space<vmem>> -> memref<128x32xf32, #tpu.memory_space<vmem>>
      %dma_start3A_82 = arith.constant 0 : i32
      %dma_start3A_83 = tpu.memref_slice %arg6[%add3A_45, %dma_start3A_78, %dma_start3A_82] : memref<50x4x128xi32, #tpu.memory_space<vmem>> -> memref<1x1x128xi32, #tpu.memory_space<vmem>>
      %dma_start3A_84 = tpu.memref_squeeze %dma_start3A_83 : memref<1x1x128xi32, #tpu.memory_space<vmem>> -> memref<128xi32, #tpu.memory_space<vmem>>
      %dma_start3A_85 = arith.constant 0 : i32
      %dma_start3A_86 = arith.constant 0 : i32
      %dma_start3A_87 = tpu.memref_slice %arg3[%dma_start3A_85, %dma_start3A_86] : memref<1000000x32xf32, #tpu.memory_space<hbm>> -> memref<1000000x32xf32, #tpu.memory_space<hbm>>
      tpu.enqueue_indirect_dma source(%dma_start3A_87 : memref<1000000x32xf32, #tpu.memory_space<hbm>>) target(%dma_start3A_81 : memref<128x32xf32, #tpu.memory_space<vmem>>) offsets(%dma_start3A_84 : memref<128xi32, #tpu.memory_space<vmem>>) semaphore(%arg9 : memref<!tpu.dma_semaphore, #tpu.memory_space<semaphore_mem>>)
      %ge3A_88 = arith.constant 1 : i32
      %ge3A_89 = arith.cmpi sge, %add3A_45, %ge3A_88 : i32
      %convert_element_type3A_90 = arith.extui %ge3A_89 : i1 to i32
      %cond3A_91 = arith.constant 0 : i32
      %cond3A_92 = arith.cmpi ne, %convert_element_type3A_90, %cond3A_91 : i32
      scf.if %cond3A_92 {
        %dma_wait3A_145 = arith.constant 0 : i32
        %dma_wait3A_146 = arith.constant 0 : i32
        %dma_wait3A_147 = tpu.memref_slice %arg3[%dma_wait3A_145, %dma_wait3A_146] : memref<1000000x32xf32, #tpu.memory_space<hbm>> -> memref<512x32xf32, #tpu.memory_space<hbm>>
        %dma_wait3A_148 = arith.constant 0 : i32
        %dma_wait3A_149 = arith.constant 0 : i32
        %dma_wait3A_150 = tpu.memref_slice %arg3[%dma_wait3A_148, %dma_wait3A_149] : memref<1000000x32xf32, #tpu.memory_space<hbm>> -> memref<512x32xf32, #tpu.memory_space<hbm>>
        tpu.wait_dma2 semaphore(%arg10 : memref<!tpu.dma_semaphore, #tpu.memory_space<semaphore_mem>>) src(%dma_wait3A_150 : memref<512x32xf32, #tpu.memory_space<hbm>>) dst(%arg8 : memref<512x32xf32, #tpu.memory_space<vmem>>)
        %sub3A = arith.constant 1 : i32
        %sub3A_151 = arith.subi %add3A_45, %sub3A : i32
        %dma_start3A_152 = arith.constant 0 : i32
        %dma_start3A_153 = tpu.memref_slice %arg4[%sub3A_151, %mul3A_2, %dma_start3A_152] : memref<50x16384x32xf32, #tpu.memory_space<hbm>> -> memref<1x512x32xf32, #tpu.memory_space<hbm>>
        %dma_start3A_154 = tpu.memref_squeeze %dma_start3A_153 : memref<1x512x32xf32, #tpu.memory_space<hbm>> -> memref<512x32xf32, #tpu.memory_space<hbm>>
        %dma_start3A_155 = arith.constant 0 : i32
        %dma_start3A_156 = tpu.memref_slice %arg4[%sub3A_151, %mul3A_2, %dma_start3A_155] : memref<50x16384x32xf32, #tpu.memory_space<hbm>> -> memref<1x512x32xf32, #tpu.memory_space<hbm>>
        %dma_start3A_157 = tpu.memref_squeeze %dma_start3A_156 : memref<1x512x32xf32, #tpu.memory_space<hbm>> -> memref<512x32xf32, #tpu.memory_space<hbm>>
        tpu.enqueue_dma source(%arg8 : memref<512x32xf32, #tpu.memory_space<vmem>>) target(%dma_start3A_157 : memref<512x32xf32, #tpu.memory_space<hbm>>) target_semaphore(%arg12 : memref<!tpu.dma_semaphore, #tpu.memory_space<semaphore_mem>>)
      } else {
      }
      %add3A_93 = arith.constant 1 : i32
      %add3A_94 = arith.addi %add3A_43, %add3A_93 : i32
      %ge3A_95 = arith.constant 2 : i32
      %ge3A_96 = arith.cmpi sge, %add3A_94, %ge3A_95 : i32
      %convert_element_type3A_97 = arith.extui %ge3A_96 : i1 to i32
      %cond3A_98 = arith.constant 0 : i32
      %cond3A_99 = arith.cmpi ne, %convert_element_type3A_97, %cond3A_98 : i32
      scf.if %cond3A_99 {
        %dma_wait3A_145 = arith.constant 0 : i32
        %dma_wait3A_146 = arith.constant 0 : i32
        %dma_wait3A_147 = arith.constant 0 : i32
        %dma_wait3A_148 = tpu.memref_slice %arg4[%dma_wait3A_145, %dma_wait3A_146, %dma_wait3A_147] : memref<50x16384x32xf32, #tpu.memory_space<hbm>> -> memref<1x512x32xf32, #tpu.memory_space<hbm>>
        %dma_wait3A_149 = tpu.memref_squeeze %dma_wait3A_148 : memref<1x512x32xf32, #tpu.memory_space<hbm>> -> memref<512x32xf32, #tpu.memory_space<hbm>>
        %dma_wait3A_150 = arith.constant 0 : i32
        %dma_wait3A_151 = arith.constant 0 : i32
        %dma_wait3A_152 = tpu.memref_slice %arg4[%dma_wait3A_145, %dma_wait3A_150, %dma_wait3A_151] : memref<50x16384x32xf32, #tpu.memory_space<hbm>> -> memref<1x512x32xf32, #tpu.memory_space<hbm>>
        %dma_wait3A_153 = tpu.memref_squeeze %dma_wait3A_152 : memref<1x512x32xf32, #tpu.memory_space<hbm>> -> memref<512x32xf32, #tpu.memory_space<hbm>>
        tpu.wait_dma2 semaphore(%arg12 : memref<!tpu.dma_semaphore, #tpu.memory_space<semaphore_mem>>) src(%arg8 : memref<512x32xf32, #tpu.memory_space<vmem>>) dst(%dma_wait3A_153 : memref<512x32xf32, #tpu.memory_space<hbm>>)
      } else {
      }
      %dma_start3A_100 = arith.constant 0 : i32
      %dma_start3A_101 = arith.constant 0 : i32
      %dma_start3A_102 = arith.constant 0 : i32
      %dma_start3A_103 = tpu.memref_slice %arg8[%dma_start3A_101, %dma_start3A_102] : memref<512x32xf32, #tpu.memory_space<vmem>> -> memref<128x32xf32, #tpu.memory_space<vmem>>
      %dma_start3A_104 = arith.constant 0 : i32
      %dma_start3A_105 = tpu.memref_slice %arg6[%add3A_94, %dma_start3A_100, %dma_start3A_104] : memref<50x4x128xi32, #tpu.memory_space<vmem>> -> memref<1x1x128xi32, #tpu.memory_space<vmem>>
      %dma_start3A_106 = tpu.memref_squeeze %dma_start3A_105 : memref<1x1x128xi32, #tpu.memory_space<vmem>> -> memref<128xi32, #tpu.memory_space<vmem>>
      %dma_start3A_107 = arith.constant 0 : i32
      %dma_start3A_108 = arith.constant 0 : i32
      %dma_start3A_109 = tpu.memref_slice %arg3[%dma_start3A_107, %dma_start3A_108] : memref<1000000x32xf32, #tpu.memory_space<hbm>> -> memref<1000000x32xf32, #tpu.memory_space<hbm>>
      tpu.enqueue_indirect_dma source(%dma_start3A_109 : memref<1000000x32xf32, #tpu.memory_space<hbm>>) target(%dma_start3A_103 : memref<128x32xf32, #tpu.memory_space<vmem>>) offsets(%dma_start3A_106 : memref<128xi32, #tpu.memory_space<vmem>>) semaphore(%arg10 : memref<!tpu.dma_semaphore, #tpu.memory_space<semaphore_mem>>)
      %dma_start3A_110 = arith.constant 1 : i32
      %dma_start3A_111 = arith.constant 128 : i32
      %dma_start3A_112 = arith.constant 0 : i32
      %dma_start3A_113 = tpu.memref_slice %arg8[%dma_start3A_111, %dma_start3A_112] : memref<512x32xf32, #tpu.memory_space<vmem>> -> memref<128x32xf32, #tpu.memory_space<vmem>>
      %dma_start3A_114 = arith.constant 0 : i32
      %dma_start3A_115 = tpu.memref_slice %arg6[%add3A_94, %dma_start3A_110, %dma_start3A_114] : memref<50x4x128xi32, #tpu.memory_space<vmem>> -> memref<1x1x128xi32, #tpu.memory_space<vmem>>
      %dma_start3A_116 = tpu.memref_squeeze %dma_start3A_115 : memref<1x1x128xi32, #tpu.memory_space<vmem>> -> memref<128xi32, #tpu.memory_space<vmem>>
      %dma_start3A_117 = arith.constant 0 : i32
      %dma_start3A_118 = arith.constant 0 : i32
      %dma_start3A_119 = tpu.memref_slice %arg3[%dma_start3A_117, %dma_start3A_118] : memref<1000000x32xf32, #tpu.memory_space<hbm>> -> memref<1000000x32xf32, #tpu.memory_space<hbm>>
      tpu.enqueue_indirect_dma source(%dma_start3A_119 : memref<1000000x32xf32, #tpu.memory_space<hbm>>) target(%dma_start3A_113 : memref<128x32xf32, #tpu.memory_space<vmem>>) offsets(%dma_start3A_116 : memref<128xi32, #tpu.memory_space<vmem>>) semaphore(%arg10 : memref<!tpu.dma_semaphore, #tpu.memory_space<semaphore_mem>>)
      %dma_start3A_120 = arith.constant 2 : i32
      %dma_start3A_121 = arith.constant 256 : i32
      %dma_start3A_122 = arith.constant 0 : i32
      %dma_start3A_123 = tpu.memref_slice %arg8[%dma_start3A_121, %dma_start3A_122] : memref<512x32xf32, #tpu.memory_space<vmem>> -> memref<128x32xf32, #tpu.memory_space<vmem>>
      %dma_start3A_124 = arith.constant 0 : i32
      %dma_start3A_125 = tpu.memref_slice %arg6[%add3A_94, %dma_start3A_120, %dma_start3A_124] : memref<50x4x128xi32, #tpu.memory_space<vmem>> -> memref<1x1x128xi32, #tpu.memory_space<vmem>>
      %dma_start3A_126 = tpu.memref_squeeze %dma_start3A_125 : memref<1x1x128xi32, #tpu.memory_space<vmem>> -> memref<128xi32, #tpu.memory_space<vmem>>
      %dma_start3A_127 = arith.constant 0 : i32
      %dma_start3A_128 = arith.constant 0 : i32
      %dma_start3A_129 = tpu.memref_slice %arg3[%dma_start3A_127, %dma_start3A_128] : memref<1000000x32xf32, #tpu.memory_space<hbm>> -> memref<1000000x32xf32, #tpu.memory_space<hbm>>
      tpu.enqueue_indirect_dma source(%dma_start3A_129 : memref<1000000x32xf32, #tpu.memory_space<hbm>>) target(%dma_start3A_123 : memref<128x32xf32, #tpu.memory_space<vmem>>) offsets(%dma_start3A_126 : memref<128xi32, #tpu.memory_space<vmem>>) semaphore(%arg10 : memref<!tpu.dma_semaphore, #tpu.memory_space<semaphore_mem>>)
      %dma_start3A_130 = arith.constant 3 : i32
      %dma_start3A_131 = arith.constant 384 : i32
      %dma_start3A_132 = arith.constant 0 : i32
      %dma_start3A_133 = tpu.memref_slice %arg8[%dma_start3A_131, %dma_start3A_132] : memref<512x32xf32, #tpu.memory_space<vmem>> -> memref<128x32xf32, #tpu.memory_space<vmem>>
      %dma_start3A_134 = arith.constant 0 : i32
      %dma_start3A_135 = tpu.memref_slice %arg6[%add3A_94, %dma_start3A_130, %dma_start3A_134] : memref<50x4x128xi32, #tpu.memory_space<vmem>> -> memref<1x1x128xi32, #tpu.memory_space<vmem>>
      %dma_start3A_136 = tpu.memref_squeeze %dma_start3A_135 : memref<1x1x128xi32, #tpu.memory_space<vmem>> -> memref<128xi32, #tpu.memory_space<vmem>>
      %dma_start3A_137 = arith.constant 0 : i32
      %dma_start3A_138 = arith.constant 0 : i32
      %dma_start3A_139 = tpu.memref_slice %arg3[%dma_start3A_137, %dma_start3A_138] : memref<1000000x32xf32, #tpu.memory_space<hbm>> -> memref<1000000x32xf32, #tpu.memory_space<hbm>>
      tpu.enqueue_indirect_dma source(%dma_start3A_139 : memref<1000000x32xf32, #tpu.memory_space<hbm>>) target(%dma_start3A_133 : memref<128x32xf32, #tpu.memory_space<vmem>>) offsets(%dma_start3A_136 : memref<128xi32, #tpu.memory_space<vmem>>) semaphore(%arg10 : memref<!tpu.dma_semaphore, #tpu.memory_space<semaphore_mem>>)
      %ge3A_140 = arith.constant 1 : i32
      %ge3A_141 = arith.cmpi sge, %add3A_94, %ge3A_140 : i32
      %convert_element_type3A_142 = arith.extui %ge3A_141 : i1 to i32
      %cond3A_143 = arith.constant 0 : i32
      %cond3A_144 = arith.cmpi ne, %convert_element_type3A_142, %cond3A_143 : i32
      scf.if %cond3A_144 {
        %dma_wait3A_145 = arith.constant 0 : i32
        %dma_wait3A_146 = arith.constant 0 : i32
        %dma_wait3A_147 = tpu.memref_slice %arg3[%dma_wait3A_145, %dma_wait3A_146] : memref<1000000x32xf32, #tpu.memory_space<hbm>> -> memref<512x32xf32, #tpu.memory_space<hbm>>
        %dma_wait3A_148 = arith.constant 0 : i32
        %dma_wait3A_149 = arith.constant 0 : i32
        %dma_wait3A_150 = tpu.memref_slice %arg3[%dma_wait3A_148, %dma_wait3A_149] : memref<1000000x32xf32, #tpu.memory_space<hbm>> -> memref<512x32xf32, #tpu.memory_space<hbm>>
        tpu.wait_dma2 semaphore(%arg9 : memref<!tpu.dma_semaphore, #tpu.memory_space<semaphore_mem>>) src(%dma_wait3A_150 : memref<512x32xf32, #tpu.memory_space<hbm>>) dst(%arg7 : memref<512x32xf32, #tpu.memory_space<vmem>>)
        %sub3A = arith.constant 1 : i32
        %sub3A_151 = arith.subi %add3A_94, %sub3A : i32
        %dma_start3A_152 = arith.constant 0 : i32
        %dma_start3A_153 = tpu.memref_slice %arg4[%sub3A_151, %mul3A_2, %dma_start3A_152] : memref<50x16384x32xf32, #tpu.memory_space<hbm>> -> memref<1x512x32xf32, #tpu.memory_space<hbm>>
        %dma_start3A_154 = tpu.memref_squeeze %dma_start3A_153 : memref<1x512x32xf32, #tpu.memory_space<hbm>> -> memref<512x32xf32, #tpu.memory_space<hbm>>
        %dma_start3A_155 = arith.constant 0 : i32
        %dma_start3A_156 = tpu.memref_slice %arg4[%sub3A_151, %mul3A_2, %dma_start3A_155] : memref<50x16384x32xf32, #tpu.memory_space<hbm>> -> memref<1x512x32xf32, #tpu.memory_space<hbm>>
        %dma_start3A_157 = tpu.memref_squeeze %dma_start3A_156 : memref<1x512x32xf32, #tpu.memory_space<hbm>> -> memref<512x32xf32, #tpu.memory_space<hbm>>
        tpu.enqueue_dma source(%arg7 : memref<512x32xf32, #tpu.memory_space<vmem>>) target(%dma_start3A_157 : memref<512x32xf32, #tpu.memory_space<hbm>>) target_semaphore(%arg11 : memref<!tpu.dma_semaphore, #tpu.memory_space<semaphore_mem>>)
      } else {
      }
    }
    %scan3A_11 = arith.constant 25 : i32
    %dma_wait3A = arith.constant 0 : i32
    %dma_wait3A_12 = arith.constant 0 : i32
    %dma_wait3A_13 = tpu.memref_slice %arg3[%dma_wait3A, %dma_wait3A_12] : memref<1000000x32xf32, #tpu.memory_space<hbm>> -> memref<512x32xf32, #tpu.memory_space<hbm>>
    %dma_wait3A_14 = arith.constant 0 : i32
    %dma_wait3A_15 = arith.constant 0 : i32
    %dma_wait3A_16 = tpu.memref_slice %arg3[%dma_wait3A_14, %dma_wait3A_15] : memref<1000000x32xf32, #tpu.memory_space<hbm>> -> memref<512x32xf32, #tpu.memory_space<hbm>>
    tpu.wait_dma2 semaphore(%arg10 : memref<!tpu.dma_semaphore, #tpu.memory_space<semaphore_mem>>) src(%dma_wait3A_16 : memref<512x32xf32, #tpu.memory_space<hbm>>) dst(%arg8 : memref<512x32xf32, #tpu.memory_space<vmem>>)
    %dma_start3A = arith.constant 49 : i32
    %dma_start3A_17 = arith.constant 0 : i32
    %dma_start3A_18 = tpu.memref_slice %arg4[%dma_start3A, %mul3A_2, %dma_start3A_17] : memref<50x16384x32xf32, #tpu.memory_space<hbm>> -> memref<1x512x32xf32, #tpu.memory_space<hbm>>
    %dma_start3A_19 = tpu.memref_squeeze %dma_start3A_18 : memref<1x512x32xf32, #tpu.memory_space<hbm>> -> memref<512x32xf32, #tpu.memory_space<hbm>>
    %dma_start3A_20 = arith.constant 0 : i32
    %dma_start3A_21 = tpu.memref_slice %arg4[%dma_start3A, %mul3A_2, %dma_start3A_20] : memref<50x16384x32xf32, #tpu.memory_space<hbm>> -> memref<1x512x32xf32, #tpu.memory_space<hbm>>
    %dma_start3A_22 = tpu.memref_squeeze %dma_start3A_21 : memref<1x512x32xf32, #tpu.memory_space<hbm>> -> memref<512x32xf32, #tpu.memory_space<hbm>>
    tpu.enqueue_dma source(%arg8 : memref<512x32xf32, #tpu.memory_space<vmem>>) target(%dma_start3A_22 : memref<512x32xf32, #tpu.memory_space<hbm>>) target_semaphore(%arg12 : memref<!tpu.dma_semaphore, #tpu.memory_space<semaphore_mem>>)
    %dma_wait3A_23 = arith.constant 0 : i32
    %dma_wait3A_24 = arith.constant 0 : i32
    %dma_wait3A_25 = arith.constant 0 : i32
    %dma_wait3A_26 = tpu.memref_slice %arg4[%dma_wait3A_23, %dma_wait3A_24, %dma_wait3A_25] : memref<50x16384x32xf32, #tpu.memory_space<hbm>> -> memref<1x512x32xf32, #tpu.memory_space<hbm>>
    %dma_wait3A_27 = tpu.memref_squeeze %dma_wait3A_26 : memref<1x512x32xf32, #tpu.memory_space<hbm>> -> memref<512x32xf32, #tpu.memory_space<hbm>>
    %dma_wait3A_28 = arith.constant 0 : i32
    %dma_wait3A_29 = arith.constant 0 : i32
    %dma_wait3A_30 = tpu.memref_slice %arg4[%dma_wait3A_23, %dma_wait3A_28, %dma_wait3A_29] : memref<50x16384x32xf32, #tpu.memory_space<hbm>> -> memref<1x512x32xf32, #tpu.memory_space<hbm>>
    %dma_wait3A_31 = tpu.memref_squeeze %dma_wait3A_30 : memref<1x512x32xf32, #tpu.memory_space<hbm>> -> memref<512x32xf32, #tpu.memory_space<hbm>>
    tpu.wait_dma2 semaphore(%arg11 : memref<!tpu.dma_semaphore, #tpu.memory_space<semaphore_mem>>) src(%arg7 : memref<512x32xf32, #tpu.memory_space<vmem>>) dst(%dma_wait3A_31 : memref<512x32xf32, #tpu.memory_space<hbm>>)
    %dma_wait3A_32 = arith.constant 49 : i32
    %dma_wait3A_33 = arith.constant 0 : i32
    %dma_wait3A_34 = tpu.memref_slice %arg4[%dma_wait3A_32, %mul3A_2, %dma_wait3A_33] : memref<50x16384x32xf32, #tpu.memory_space<hbm>> -> memref<1x512x32xf32, #tpu.memory_space<hbm>>
    %dma_wait3A_35 = tpu.memref_squeeze %dma_wait3A_34 : memref<1x512x32xf32, #tpu.memory_space<hbm>> -> memref<512x32xf32, #tpu.memory_space<hbm>>
    %dma_wait3A_36 = arith.constant 0 : i32
    %dma_wait3A_37 = tpu.memref_slice %arg4[%dma_wait3A_32, %mul3A_2, %dma_wait3A_36] : memref<50x16384x32xf32, #tpu.memory_space<hbm>> -> memref<1x512x32xf32, #tpu.memory_space<hbm>>
    %dma_wait3A_38 = tpu.memref_squeeze %dma_wait3A_37 : memref<1x512x32xf32, #tpu.memory_space<hbm>> -> memref<512x32xf32, #tpu.memory_space<hbm>>
    tpu.wait_dma2 semaphore(%arg12 : memref<!tpu.dma_semaphore, #tpu.memory_space<semaphore_mem>>) src(%arg8 : memref<512x32xf32, #tpu.memory_space<vmem>>) dst(%dma_wait3A_38 : memref<512x32xf32, #tpu.memory_space<hbm>>)
    return
  }
}

</mosaic_0001>

<sc_bundles>
// kernel: kernel.3.cloned.1.call-start
scs
__scs_entry_jumppad:
0x0: {  	(pc) =	sbr.rel $0x88, $3  }
0x1: {  	(tag) =	ssettag $0x0;
	lr =	simm.s32 $0x1  }
0x2: {  	[smem:$0x3F9F] =	sst lr;
	_ =	strace $0xD0000000  }
0x3: {  	_ = 	snop  }
0x4: {  	_ = 	snop  }
0x5: {  	_ = 	snop  }
0x6: {  	_ = 	snop  }
0x7: {  	_ = 	snop  }
__scs_overlays_trampoline_lowered:
0x8: {  	[smem:$0x3FAE] =	sst s0  }
0x9: {  	[smem:$0x3FAF] =	sst s1  }
0xa: {  	[smem:$0x3FB0] =	sst s2  }
0xb: {  	[smem:$0x3FB1] =	sst s3  }
0xc: {  	[smem:$0x3FB2] =	sst s4  }
0xd: {  	[smem:$0x3FB3] =	sst s5  }
0xe: {  	[smem:$0x3FB4] =	sst s6  }
0xf: {  	[smem:$0x3FB5] =	sst s7  }
0x10: {  	[smem:$0x3FB6] =	sst s8  }
0x11: {  	[smem:$0x3FB7] =	sst s9;
	s0 =	simm.s32 @!p0 $0x0  }
0x12: {  	s1 =	sld [smem:$0x3F9D];
	s0 =	simm.s32 @p0 $0x1  }
0x13: {  	[smem:$0x3FB8] =	sst s0;
	s0 =	simm.s32 @!p1 $0x0  }
0x14: {  	s2 =	sld [smem:$0x3F9C];
	s0 =	simm.s32 @p1 $0x1  }
0x15: {  	[smem:$0x3FB9] =	sst s0;
	s0 =	simm.s32 @!p2 $0x0  }
0x16: {  	s3 =	sld [smem:$0x3FDB];
	s0 =	simm.s32 @p2 $0x1  }
0x17: {  	s4 =	simm.s32 $0x1BF5;
	[smem:$0x3FBB] =	sst s0  }
0x18: {  	s0 =	sld [smem:$0x3F9E];
	_ =	swait.ge [sflag:s4], $0x0  }
0x19: {  	s7 =	sld [smem:$0x3F9F]  }
0x1a: {  	s8 =	sadd.s32 $0xFFFFE003, lr  }
0x1b: {  	s9 =	sadd.s32 $0xFFFFFEF7, lr;
	s5 =	simm.s32 $0xFFFFFFFF;
	p2 =	slt.u32 s8, $0xFFFFF086  }
0x1c: {  	p1 =	slt.u32 s9, $0xF7A;
	s5 =	simm.s32 @!p2 $0x0  }
0x1d: {  	s5 =	simm.s32 @p1 $0x1;
	p0 =	seq.s32 s7, s2  }
0x1e: {  	s7 =	smul.u32 @!p0 $0xF7A, s2;
	p2 =	seq.s32 @!p0 s5, $0x0  }
0x1f: {  	s9 =	smul.u32 $0xF7A, s1;
	s8 =	simm.s32 @!p0 $0x1BF5;
	p2 =	por !p2, p0  }
0x20: {  	[sflag:s8] =	ssyncset.s32 @!p0 $0xFFFFF086;
	s6 =	sadd.s32 @!p0 s3, s7;
	s7 =	simm.s32 @!p0 $0x108  }
0x21: {  	s3 =	sadd.s32 s3, s9;
	s6 =	sadd.s32 @!p0 $0x88, s6;
	s7 =	simm.s32 @p2 $0x1082  }
0x22: {  	[simem:s7], [sflag:s8] =	dma.local @!p0 [hbm:s6], $0xF7A  }
0x23: {  	s9 =	sor.u32 $0xD0000000, s2;
	s6 =	simm.s32 $0x108;
	_ =	swait.ge @!p0 [sflag:s8], $0x0  }
0x24: {  	s3 =	sadd.s32 $0x88, s3;
	s6 =	simm.s32 @!p1 $0x1082;
	[sflag:s4] =	ssyncset.s32 $0xFFFFF086  }
0x25: {  	[simem:s6], [sflag:s4] =	dma.local [hbm:s3], $0xF7A  }
0x26: {  	[smem:$0x3F9F] =	sst s1;
	(tag) =	ssettag s2;
	_ =	strace s9  }
0x27: {  	s1 =	sld [smem:$0x3FAF]  }
0x28: {  	s2 =	sld [smem:$0x3FB0]  }
0x29: {  	s4 =	sld [smem:$0x3FB2]  }
0x2a: {  	p0 =	seq.s32 s5, $0x0;
	s5 =	sld [smem:$0x3FB3]  }
0x2b: {  	s6 =	sld [smem:$0x3FB4]  }
0x2c: {  	s7 =	sld [smem:$0x3FB5]  }
0x2d: {  	s3 =	simm.s32 $0x108;
	s8 =	sld [smem:$0x3FB6]  }
0x2e: {  	s3 =	simm.s32 @!p0 $0x1082;
	s9 =	sld [smem:$0x3FB7]  }
0x2f: {  	lr =	sadd.s32 s0, s3;
	s0 =	sld [smem:$0x3FAE]  }
0x30: {  	s3 =	sld [smem:$0x3FB1]  }
0x31: {  	[smem:$0x3FBA] =	sst s10  }
0x32: {  	s10 =	sld [smem:$0x3FB8];
	_ =	sdelay $0x3  }
0x33: {  	p0 =	seq.s32 s10, $0x1;
	s10 =	sld [smem:$0x3FBA];
	_ =	sdelay $0x3  }
0x34: {  	[smem:$0x3FBA] =	sst s10  }
0x35: {  	s10 =	sld [smem:$0x3FB9];
	_ =	sdelay $0x3  }
0x36: {  	p1 =	seq.s32 s10, $0x1;
	s10 =	sld [smem:$0x3FBA];
	_ =	sdelay $0x3  }
0x37: {  	[smem:$0x3FBA] =	sst s10  }
0x38: {  	s10 =	sld [smem:$0x3FBB]  }
0x39: {  	_ = 	snop;
	(pc) =	sbr.ind lr, $3  }
0x3a: {  	_ = 	snop  }
0x3b: {  	_ = 	snop  }
0x3c: {  	p2 =	seq.s32 s10, $0x1;
	s10 =	sld [smem:$0x3FBA]  }
0x3d: {  	_ =	shalt  }
0x3e: {  	_ =	shalt  }
0x3f: {  	_ =	shalt  }
0x40: {  	_ =	shalt  }
0x41: {  	_ =	shalt  }
0x42: {  	_ =	shalt  }
0x43: {  	_ =	shalt  }
0x44: {  	_ =	shalt  }
0x45: {  	_ =	shalt  }
0x46: {  	_ =	shalt  }
0x47: {  	_ =	shalt  }
0x48: {  	_ =	shalt  }
0x49: {  	_ =	shalt  }
0x4a: {  	_ =	shalt  }
0x4b: {  	_ =	shalt  }
0x4c: {  	_ =	shalt  }
0x4d: {  	_ =	shalt  }
0x4e: {  	_ =	shalt  }
0x4f: {  	_ =	shalt  }
0x50: {  	_ =	shalt  }
0x51: {  	_ =	shalt  }
0x52: {  	_ =	shalt  }
0x53: {  	_ =	shalt  }
0x54: {  	_ =	shalt  }
0x55: {  	_ =	shalt  }
0x56: {  	_ =	shalt  }
0x57: {  	_ =	shalt  }
0x58: {  	_ =	shalt  }
0x59: {  	_ =	shalt  }
0x5a: {  	_ =	shalt  }
0x5b: {  	_ =	shalt  }
0x5c: {  	_ =	shalt  }
0x5d: {  	_ =	shalt  }
0x5e: {  	_ =	shalt  }
0x5f: {  	_ =	shalt  }
0x60: {  	_ =	shalt  }
0x61: {  	_ =	shalt  }
0x62: {  	_ =	shalt  }
0x63: {  	_ =	shalt  }
0x64: {  	_ =	shalt  }
0x65: {  	_ =	shalt  }
0x66: {  	_ =	shalt  }
0x67: {  	_ =	shalt  }
0x68: {  	_ =	shalt  }
0x69: {  	_ =	shalt  }
0x6a: {  	_ =	shalt  }
0x6b: {  	_ =	shalt  }
0x6c: {  	_ =	shalt  }
0x6d: {  	_ =	shalt  }
0x6e: {  	_ =	shalt  }
0x6f: {  	_ =	shalt  }
0x70: {  	_ =	shalt  }
0x71: {  	_ =	shalt  }
0x72: {  	_ =	shalt  }
0x73: {  	_ =	shalt  }
0x74: {  	_ =	shalt  }
0x75: {  	_ =	shalt  }
0x76: {  	_ =	shalt  }
0x77: {  	_ =	shalt  }
0x78: {  	_ =	shalt  }
0x79: {  	_ =	shalt  }
0x7a: {  	_ =	shalt  }
0x7b: {  	_ =	shalt  }
0x7c: {  	_ =	shalt  }
0x7d: {  	_ =	shalt  }
0x7e: {  	_ =	shalt  }
0x7f: {  	_ =	shalt  }
0x80: {  	_ =	shalt  }
0x81: {  	_ =	shalt  }
0x82: {  	_ =	shalt  }
0x83: {  	_ =	shalt  }
0x84: {  	_ =	shalt  }
0x85: {  	_ =	shalt  }
0x86: {  	_ =	shalt  }
0x87: {  	_ =	shalt  }
.Lfunc_end0:
.L_simem_size_0:
called_computation.1_lowered:
.L_overlay_start_0:
0x88: {  	s2 =	sld [smem:$0x3FD9]  }
0x89: {  	s3 =	sld [smem:$0x3FFE];
	_ =	sdelay $0x1  }
0x8a: {  	s1 =	srdreg.scid  }
0x8b: {  	s0 =	sand.u32 $0x1, s1  }
0x8c: {  	s17 =	sshll.u32 s0, $0xA;
	s2 =	sadd.s32 s3, s2  }
0x8d: {  	s2 =	sadd.s32 s2, s17  }
0x8e: {  	[smem:$0x3FC6] =	sst s2  }
0x8f: {  	_ = 	snop  }
0x90: {  	s2 =	sld [smem:$0x3FD0];
	(tm) =	ssettm $0x1  }
0x91: {  	s18 =	sld [smem:$0x3FFB];
	_ =	sdelay $0x3  }
0x92: {  	_ =	strace s18  }
0x93: {  	s3 =	sld [smem:$0x3FFC];
	_ =	sdelay $0x3  }
0x94: {  	_ =	strace s3  }
0x95: {  	s3 =	sld [smem:$0x3FFD];
	_ =	sdelay $0x3  }
0x96: {  	_ =	strace s3  }
0x97: {  	_ =	strace $0x8FFFFFFF  }
0x98: {  	s19 =	sld [smem:$0x3FDB];
	_ =	sdelay $0x1  }
0x99: {  	s4 =	simm.s32 $_scs_section_size  }
0x9a: {  	s5 =	simm.s32 $_size__tile_overlayer_lowered;
	s6 =	simm.s32 $_tile_overlayer_lowered  }
0x9b: {  	s22 =	simm.s32 $0x1BFF;
	s21 =	sshll.u32 s6, $0x1;
	s3 =	sadd.s32 s4, s19  }
0x9c: {  	s7 =	simm.s32 $0x0;
	s20 =	sshll.u32 s5, $0x1;
	s5 =	sadd.s32 s21, s3  }
0x9d: {  	[timem:s7], [sflag:s22] =	dma.local [hbm:s5], s20  }
0x9e: {  	_ =	swait.ge [sflag:s22], s20  }
0x9f: {  	s4 =	ssub.s32 $0x0, s20;
	[sflag:s22] =	ssyncset.done $0x0  }
0xa0: {  	[sflag:s22] =	ssyncadd.s32 s4;
	_ =	sdelay $0x1  }
0xa1: {  	s23 =	simm.s32 $0x1B8B  }
0xa2: {  	_ =	swait.ge [sflag:s23], $0x1  }
0xa3: {  	[sflag:s23] =	ssyncset.done $0x0  }
0xa4: {  	s25 =	simm.s32 $0x1B8E;
	s24 =	sld [smem:$0x3FFE];
	[sflag:s23] =	ssyncadd.s32 $0xFFFFFFFF  }
0xa5: {  	s26 =	simm.s32 $execute0_lowered;
	[smem:$0x3FD2] =	sst s25  }
0xa6: {  	s5 =	sshll.u32 s26, $0x1;
	_ =	strace $0x80000046;
	[dreg:$0x1] =	wrdreg $0xFFFFFFFF  }
0xa7: {  	s28 =	simm.s32 $_size_execute0_lowered;
	s3 =	sadd.s32 s3, s5;
	[dreg:$0x0] =	wrdreg $0x0  }
0xa8: {  	s5 =	sshll.u32 s28, $0x1;
	[dreg:$0x2] =	wrdreg s3  }
0xa9: {  	[dreg:$0x3] =	wrdreg s5  }
0xaa: {  	[dreg:$0x4] =	wrdreg $0xC0  }
0xab: {  	_ =	task [dreg:s7], $0x5FFFF  }
0xac: {  	[dreg:$0x1] =	wrdreg $0xFFFFFFFF  }
0xad: {  	[dreg:$0x0] =	wrdreg $0x60  }
0xae: {  	[dreg:$0x2] =	wrdreg s24  }
0xaf: {  	[dreg:$0x3] =	wrdreg s2  }
0xb0: {  	[dreg:$0x4] =	wrdreg $0x9  }
0xb1: {  	_ =	task.clear_ibuf [dreg:s7], $0x5FFFF;
	_ =	strace $0x90000046  }
0xb2: {  	s29 =	simm.s32 $0x9;
	_ =	strace $0x80000048  }
0xb3: {  	_ =	swait.ge [sflag:s29], $0x1  }
0xb4: {  	[sflag:s29] =	ssyncadd.s32 $0xFFFFFFFF  }
0xb5: {  	_ =	strace $0x90000048  }
0xb6: {  	_ =	sfence  }
0xb7: {  	s30 =	sld [smem:$0x0];
	_ =	sdelay $0x2  }
0xb8: {  	s31 =	sshll.u32 s1, $0xD;
	s1 =	sshrl.u32 s1, $0x2  }
0xb9: {  	s3 =	sand.u32 $0x4000, s31;
	s1 =	sadd.s32 s1, s30  }
0xba: {  	s0 =	sor.u32 s3, s0;
	s1 =	sshll.u32 s1, $0x11  }
0xbb: {  	s0 =	sor.u32 s1, s0  }
0xbc: {  	s0 =	sadd.s32 $0x8F2B, s0  }
0xbd: {  	[sflag:s0] =	ssyncadd.remote.s32 $0x1  }
0xbe: {  	_ =	sfence.sel $0xFFFF  }
0xbf: {  	[dreg:$0x0] =	wrdreg $0xFFFFFFFF;
	(pc) =	sbr.abs _section_cstart, $3  }
0xc0: {  	[dreg:$0x1] =	wrdreg $0xFFFFFFFF  }
0xc1: {  	_ =	task.clear_ibuf [dreg:s7], $0x2FFFF;
	_ =	strace $0x9FFFFFFF  }
0xc2: {  	(tm) =	ssettm $0x7FFFFFFF  }
0xc3: {  	_ =	shalt  }
tec
execute0_lowered:
.L_overlay_start_1:
0x0: {  	(tag) =	ssettag $0x1  }
0x1: {  	s0 =	srdreg.scid;
	s1 =	rddreg [dreg:$0x0]  }
0x2: {  	s10 =	stileid.u32;
	s8 =	rddreg [dreg:$0x1];
	s2 =	simm.s32 $0x0  }
0x3: {  	s11 =	simm.s32 $0x80;
	s13 =	simm.s32 $0xD400;
	s15 =	simm.s32 $0xE400  }
0x4: {  	v0 =	vlaneseq.u32;
	s16 =	simm.s32 $0x7100;
	s17 =	simm.s32 $0xF400;
	s19 =	simm.s32 $0x10400  }
0x5: {  	s28 =	simm.s32 $0x14400;
	s29 =	simm.s32 $0x1;
	s30 =	simm.s32 $0x3;
	v0 =	vmul.u32 $0x38, v0  }
0x6: {  	s31 =	simm.s32 $0x2;
	s0 =	sand.u32 $0x1, s0;
	s3 =	sshll.u32 s10, $0xA  }
0x7: {  	[smem:$0x7FF] =	sst s2;
	s23 =	sshll.u32 s10, $0xF;
	s25 =	sshll.u32 s10, $0xC;
	v1 =	vadd.s32 $0x380, v0  }
0x8: {  	s10 =	simm.s32 $0x5;
	s4 =	sshll.u32 s0, $0x9;
	_ =	strace $0x80000047;
	v2 =	vadd.s32 $0x700, v0;
	v3 =	vadd.s32 $0xA80, v0;
	v4 =	vadd.s32 $0xE00, v0  }
0x9: {  	s5 =	ssub.s32 $0x2, s0;
	s9 =	sshll.u32 s0, $0xE;
	s0 =	sshll.u32 s0, $0xB;
	v5 =	vadd.s32 $0x1180, v0;
	v6 =	vadd.s32 $0x1500, v0;
	v7 =	vadd.s32 $0x1880, v0  }
0xa: {  	s4 =	sor.u32 s4, s3;
	s6 =	sshrl.u32 s5, $0x1;
	s24 =	sor.u32 s9, s23;
	v8 =	vor.u32 $0x1C00, v0;
	v9 =	vadd.s32 $0x1F80, v0;
	v10 =	vadd.s32 $0x2300, v0  }
0xb: {  	s9 =	sadd.s32 s25, s8;
	v11 =	vadd.s32 $0x2680, v0;
	v12 =	vadd.s32 $0x2A00, v0;
	v13 =	vadd.s32 $0x2D80, v0;
	s23 =	simm.s32 $0x12400;
	s25 =	simm.s32 $0x13400  }
0xc: {  	v14 =	vadd.s32 $0x3100, v0;
	v15 =	vadd.s32 $0x3480, v0;
	v16 =	vor.u32 $0x3800, v0;
	s3 =	smul.u32 $0x7, s4;
	s22 =	sshll.u32 s4, $0x2;
	s0 =	sadd.s32 s0, s9  }
0xd: {  	v17 =	vadd.s32 $0x3B80, v0;
	v18 =	vadd.s32 $0x3F00, v0;
	v19 =	vadd.s32 $0x4280, v0;
	s21 =	ssub.s32 s5, s6;
	s5 =	sadd.s32 s8, s22;
	s20 =	sadd.s32 $0x20000, s0  }
0xe: {  	v20 =	vadd.s32 $0x4600, v0;
	v21 =	vadd.s32 $0x4980, v0;
	v22 =	vadd.s32 $0x4D00, v0;
	s0 =	simm.s32 $0x0;
	s7 =	sadd.s32 s3, s1;
	s3 =	sadd.s32 $0xF42E00, s1  }
0xf: {  	v23 =	vadd.s32 $0x5080, v0;
	v24 =	vor.u32 $0x5400, v0;
	v25 =	vadd.s32 $0x5780, v0;
	s6 =	sadd.s32 $0x310000, s5;
	s4 =	sadd.s32 $0xA00, s7;
	s7 =	sor.u32 $0x80000, s24  }
0x10: {  	v26 =	vadd.s32 $0x5B00, v0;
	v27 =	vadd.s32 $0x5E80, v0;
	v28 =	vadd.s32 $0x6200, v0;
	s1 =	simm.s32 $0x4;
	s26 =	sshrl.u32 s7, $0x3;
	s7 =	smax.u32 s21, $0x1  }
0x11: {  	v29 =	vadd.s32 $0x6580, v0;
	v30 =	vadd.s32 $0x6900, v0;
	v31 =	vadd.s32 $0x6C80, v0;
	s21 =	simm.s32 $0x11400;
	s8 =	sadd.s32 s26, s8;
	s26 =	simm.s32 $0x7380  }
.LBB2_1:
0x12: {  	v32 =	vmov s2  }
0x13: {  	v32 =	vand.u32 $0x3F, v32  }
0x14: {  	v33 =	vadd.s32 v0, v32  }
0x15: {  	[tilespmem:s2], [sflag:$0x5] =	stream.linear.gather [hbm4b:s4+s2], $0x7000, $0x38;
	[tilespmem:$0x15400] =	vst v63  }
0x16: {  	_ =	swait.ge [sflag:s10], $0x7000  }
0x17: {  	[sflag:s10] =	ssyncset.done $0x0  }
0x18: {  	[sflag:s10] =	ssyncadd.s32 $0xFFFF9000  }
0x19: {  	v33 =	vld.idx.msk [tilespmem:v33+s2+$0x0], $0xffff  }
0x1a: {  	v34 =	vadd.s32 v1, v32;
	_ =	sdelay $0x3  }
0x1b: {  	[tilespmem:s16+$0xFFFFFF00] =	vst v33  }
0x1c: {  	v33 =	vld.idx.msk [tilespmem:v34+s2+$0x0], $0xffff  }
0x1d: {  	v62 =	vadd.s32 v2, v32;
	_ =	sdelay $0x3  }
0x1e: {  	[tilespmem:s16+$0xFFFFFF10] =	vst v33  }
0x1f: {  	v33 =	vld.idx.msk [tilespmem:v62+s2+$0x0], $0xffff  }
0x20: {  	v63 =	vadd.s32 v3, v32;
	_ =	sdelay $0x3  }
0x21: {  	[tilespmem:s16+$0xFFFFFF20] =	vst v33  }
0x22: {  	v33 =	vld.idx.msk [tilespmem:v63+s2+$0x0], $0xffff  }
0x23: {  	v36 =	vadd.s32 v4, v32;
	_ =	sdelay $0x3  }
0x24: {  	[tilespmem:s16+$0xFFFFFF30] =	vst v33  }
0x25: {  	v33 =	vld.idx.msk [tilespmem:v36+s2+$0x0], $0xffff  }
0x26: {  	v37 =	vadd.s32 v5, v32;
	_ =	sdelay $0x3  }
0x27: {  	[tilespmem:s16+$0xFFFFFF40] =	vst v33  }
0x28: {  	v33 =	vld.idx.msk [tilespmem:v37+s2+$0x0], $0xffff  }
0x29: {  	v38 =	vadd.s32 v6, v32;
	_ =	sdelay $0x3  }
0x2a: {  	[tilespmem:s16+$0xFFFFFF50] =	vst v33  }
0x2b: {  	v33 =	vld.idx.msk [tilespmem:v38+s2+$0x0], $0xffff  }
0x2c: {  	v39 =	vadd.s32 v7, v32;
	_ =	sdelay $0x3  }
0x2d: {  	[tilespmem:s16+$0xFFFFFF60] =	vst v33  }
0x2e: {  	v33 =	vld.idx.msk [tilespmem:v39+s2+$0x0], $0xffff  }
0x2f: {  	v40 =	vadd.s32 v8, v32;
	_ =	sdelay $0x3  }
0x30: {  	[tilespmem:s16+$0xFFFFFF70] =	vst v33  }
0x31: {  	v33 =	vld.idx.msk [tilespmem:v40+s2+$0x0], $0xffff  }
0x32: {  	v41 =	vadd.s32 v9, v32;
	_ =	sdelay $0x3  }
0x33: {  	[tilespmem:s16+$0xFFFFFF80] =	vst v33  }
0x34: {  	v33 =	vld.idx.msk [tilespmem:v41+s2+$0x0], $0xffff  }
0x35: {  	v42 =	vadd.s32 v10, v32;
	_ =	sdelay $0x3  }
0x36: {  	[tilespmem:s16+$0xFFFFFF90] =	vst v33  }
0x37: {  	v33 =	vld.idx.msk [tilespmem:v42+s2+$0x0], $0xffff  }
0x38: {  	v43 =	vadd.s32 v11, v32;
	_ =	sdelay $0x3  }
0x39: {  	[tilespmem:s16+$0xFFFFFFA0] =	vst v33  }
0x3a: {  	v33 =	vld.idx.msk [tilespmem:v43+s2+$0x0], $0xffff  }
0x3b: {  	v44 =	vadd.s32 v12, v32;
	_ =	sdelay $0x3  }
0x3c: {  	[tilespmem:s16+$0xFFFFFFB0] =	vst v33  }
0x3d: {  	v33 =	vld.idx.msk [tilespmem:v44+s2+$0x0], $0xffff  }
0x3e: {  	v45 =	vadd.s32 v13, v32;
	_ =	sdelay $0x3  }
0x3f: {  	[tilespmem:s16+$0xFFFFFFC0] =	vst v33  }
0x40: {  	v33 =	vld.idx.msk [tilespmem:v45+s2+$0x0], $0xffff  }
0x41: {  	v46 =	vadd.s32 v14, v32;
	_ =	sdelay $0x3  }
0x42: {  	[tilespmem:s16+$0xFFFFFFD0] =	vst v33  }
0x43: {  	v33 =	vld.idx.msk [tilespmem:v46+s2+$0x0], $0xffff  }
0x44: {  	v47 =	vadd.s32 v15, v32;
	_ =	sdelay $0x3  }
0x45: {  	[tilespmem:s16+$0xFFFFFFE0] =	vst v33  }
0x46: {  	v33 =	vld.idx.msk [tilespmem:v47+s2+$0x0], $0xffff  }
0x47: {  	v48 =	vadd.s32 v16, v32;
	_ =	sdelay $0x3  }
0x48: {  	[tilespmem:s16+$0xFFFFFFF0] =	vst v33  }
0x49: {  	v33 =	vld.idx.msk [tilespmem:v48+s2+$0x0], $0xffff  }
0x4a: {  	v49 =	vadd.s32 v17, v32;
	_ =	sdelay $0x3  }
0x4b: {  	[tilespmem:s16+$0x0] =	vst v33  }
0x4c: {  	v33 =	vld.idx.msk [tilespmem:v49+s2+$0x0], $0xffff  }
0x4d: {  	v50 =	vadd.s32 v18, v32;
	_ =	sdelay $0x3  }
0x4e: {  	[tilespmem:s16+$0x10] =	vst v33  }
0x4f: {  	v33 =	vld.idx.msk [tilespmem:v50+s2+$0x0], $0xffff  }
0x50: {  	v51 =	vadd.s32 v19, v32;
	_ =	sdelay $0x3  }
0x51: {  	[tilespmem:s16+$0x20] =	vst v33  }
0x52: {  	v33 =	vld.idx.msk [tilespmem:v51+s2+$0x0], $0xffff  }
0x53: {  	v52 =	vadd.s32 v20, v32;
	_ =	sdelay $0x3  }
0x54: {  	[tilespmem:s16+$0x30] =	vst v33  }
0x55: {  	v33 =	vld.idx.msk [tilespmem:v52+s2+$0x0], $0xffff  }
0x56: {  	v53 =	vadd.s32 v21, v32;
	_ =	sdelay $0x3  }
0x57: {  	[tilespmem:s16+$0x40] =	vst v33  }
0x58: {  	v33 =	vld.idx.msk [tilespmem:v53+s2+$0x0], $0xffff  }
0x59: {  	v54 =	vadd.s32 v22, v32;
	_ =	sdelay $0x3  }
0x5a: {  	[tilespmem:s16+$0x50] =	vst v33  }
0x5b: {  	v33 =	vld.idx.msk [tilespmem:v54+s2+$0x0], $0xffff  }
0x5c: {  	v55 =	vadd.s32 v23, v32;
	_ =	sdelay $0x3  }
0x5d: {  	[tilespmem:s16+$0x60] =	vst v33  }
0x5e: {  	v33 =	vld.idx.msk [tilespmem:v55+s2+$0x0], $0xffff  }
0x5f: {  	v56 =	vadd.s32 v24, v32;
	_ =	sdelay $0x3  }
0x60: {  	[tilespmem:s16+$0x70] =	vst v33  }
0x61: {  	v33 =	vld.idx.msk [tilespmem:v56+s2+$0x0], $0xffff  }
0x62: {  	v57 =	vadd.s32 v25, v32;
	_ =	sdelay $0x3  }
0x63: {  	[tilespmem:s16+$0x80] =	vst v33  }
0x64: {  	v33 =	vld.idx.msk [tilespmem:v57+s2+$0x0], $0xffff  }
0x65: {  	v58 =	vadd.s32 v26, v32;
	_ =	sdelay $0x3  }
0x66: {  	[tilespmem:s16+$0x90] =	vst v33  }
0x67: {  	v33 =	vld.idx.msk [tilespmem:v58+s2+$0x0], $0xffff  }
0x68: {  	v59 =	vadd.s32 v27, v32;
	_ =	sdelay $0x3  }
0x69: {  	[tilespmem:s16+$0xA0] =	vst v33  }
0x6a: {  	v33 =	vld.idx.msk [tilespmem:v59+s2+$0x0], $0xffff  }
0x6b: {  	v60 =	vadd.s32 v28, v32;
	_ =	sdelay $0x3  }
0x6c: {  	[tilespmem:s16+$0xB0] =	vst v33  }
0x6d: {  	v33 =	vld.idx.msk [tilespmem:v60+s2+$0x0], $0xffff  }
0x6e: {  	v61 =	vadd.s32 v29, v32;
	_ =	sdelay $0x3  }
0x6f: {  	[tilespmem:s16+$0xC0] =	vst v33  }
0x70: {  	v33 =	vld.idx.msk [tilespmem:v61+s2+$0x0], $0xffff  }
0x71: {  	v62 =	vadd.s32 v30, v32;
	_ =	sdelay $0x3  }
0x72: {  	[tilespmem:s16+$0xD0] =	vst v33  }
0x73: {  	v33 =	vld.idx.msk [tilespmem:v62+s2+$0x0], $0xffff  }
0x74: {  	v63 =	vadd.s32 v31, v32;
	_ =	sdelay $0x3  }
0x75: {  	s9 =	simm.s32 $0x1;
	[tilespmem:s16+$0xE0] =	vst v33  }
0x76: {  	s14 =	simm.s32 $0x2;
	s12 =	simm.s32 $0x7100;
	v32 =	vmov s9;
	v33 =	vld.idx.msk [tilespmem:v63+s2+$0x0], $0xffff  }
.LBB2_2:
0x77: {  	p0 =	sne.s32 s14, $0x31;
	v32 =	vand.u32 $0x3F, v32  }
0x78: {  	v34 =	vadd.s32 v0, v32;
	_ =	sdelay $0x3  }
0x79: {  	[tilespmem:s12+$0xF0] =	vst v33  }
0x7a: {  	v33 =	vld.idx.msk [tilespmem:v34+s2+$0x0], $0xffff;
	_ =	sdelay $0x1  }
0x7b: {  	v34 =	vadd.s32 v1, v32;
	_ =	sdelay $0x2  }
0x7c: {  	s12 =	sadd.s32 $0x200, s12  }
0x7d: {  	[tilespmem:s12+$0xFFFFFF00] =	vst v33  }
0x7e: {  	v33 =	vld.idx.msk [tilespmem:v34+s2+$0x0], $0xffff;
	_ =	sdelay $0x1  }
0x7f: {  	v34 =	vadd.s32 v2, v32;
	_ =	sdelay $0x3  }
0x80: {  	[tilespmem:s12+$0xFFFFFF10] =	vst v33  }
0x81: {  	v33 =	vld.idx.msk [tilespmem:v34+s2+$0x0], $0xffff;
	_ =	sdelay $0x1  }
0x82: {  	v34 =	vadd.s32 v3, v32;
	_ =	sdelay $0x3  }
0x83: {  	[tilespmem:s12+$0xFFFFFF20] =	vst v33  }
0x84: {  	v33 =	vld.idx.msk [tilespmem:v34+s2+$0x0], $0xffff;
	_ =	sdelay $0x1  }
0x85: {  	v34 =	vadd.s32 v4, v32;
	_ =	sdelay $0x3  }
0x86: {  	[tilespmem:s12+$0xFFFFFF30] =	vst v33  }
0x87: {  	v33 =	vld.idx.msk [tilespmem:v34+s2+$0x0], $0xffff;
	_ =	sdelay $0x1  }
0x88: {  	v34 =	vadd.s32 v5, v32;
	_ =	sdelay $0x3  }
0x89: {  	[tilespmem:s12+$0xFFFFFF40] =	vst v33  }
0x8a: {  	v33 =	vld.idx.msk [tilespmem:v34+s2+$0x0], $0xffff;
	_ =	sdelay $0x1  }
0x8b: {  	v34 =	vadd.s32 v6, v32;
	_ =	sdelay $0x3  }
0x8c: {  	[tilespmem:s12+$0xFFFFFF50] =	vst v33  }
0x8d: {  	v33 =	vld.idx.msk [tilespmem:v34+s2+$0x0], $0xffff;
	_ =	sdelay $0x1  }
0x8e: {  	v34 =	vadd.s32 v7, v32;
	_ =	sdelay $0x3  }
0x8f: {  	[tilespmem:s12+$0xFFFFFF60] =	vst v33  }
0x90: {  	v33 =	vld.idx.msk [tilespmem:v34+s2+$0x0], $0xffff;
	_ =	sdelay $0x1  }
0x91: {  	v34 =	vadd.s32 v8, v32;
	_ =	sdelay $0x3  }
0x92: {  	[tilespmem:s12+$0xFFFFFF70] =	vst v33  }
0x93: {  	v33 =	vld.idx.msk [tilespmem:v34+s2+$0x0], $0xffff;
	_ =	sdelay $0x1  }
0x94: {  	v34 =	vadd.s32 v9, v32;
	_ =	sdelay $0x3  }
0x95: {  	[tilespmem:s12+$0xFFFFFF80] =	vst v33  }
0x96: {  	v33 =	vld.idx.msk [tilespmem:v34+s2+$0x0], $0xffff;
	_ =	sdelay $0x1  }
0x97: {  	v34 =	vadd.s32 v10, v32;
	_ =	sdelay $0x3  }
0x98: {  	[tilespmem:s12+$0xFFFFFF90] =	vst v33  }
0x99: {  	v33 =	vld.idx.msk [tilespmem:v34+s2+$0x0], $0xffff;
	_ =	sdelay $0x1  }
0x9a: {  	v34 =	vadd.s32 v11, v32;
	_ =	sdelay $0x3  }
0x9b: {  	[tilespmem:s12+$0xFFFFFFA0] =	vst v33  }
0x9c: {  	v33 =	vld.idx.msk [tilespmem:v34+s2+$0x0], $0xffff;
	_ =	sdelay $0x1  }
0x9d: {  	v34 =	vadd.s32 v12, v32;
	_ =	sdelay $0x3  }
0x9e: {  	[tilespmem:s12+$0xFFFFFFB0] =	vst v33  }
0x9f: {  	v33 =	vld.idx.msk [tilespmem:v34+s2+$0x0], $0xffff;
	_ =	sdelay $0x1  }
0xa0: {  	v34 =	vadd.s32 v13, v32;
	_ =	sdelay $0x3  }
0xa1: {  	[tilespmem:s12+$0xFFFFFFC0] =	vst v33  }
0xa2: {  	v33 =	vld.idx.msk [tilespmem:v34+s2+$0x0], $0xffff;
	_ =	sdelay $0x1  }
0xa3: {  	v34 =	vadd.s32 v14, v32;
	_ =	sdelay $0x3  }
0xa4: {  	[tilespmem:s12+$0xFFFFFFD0] =	vst v33  }
0xa5: {  	v33 =	vld.idx.msk [tilespmem:v34+s2+$0x0], $0xffff;
	_ =	sdelay $0x1  }
0xa6: {  	v34 =	vadd.s32 v15, v32;
	_ =	sdelay $0x3  }
0xa7: {  	[tilespmem:s12+$0xFFFFFFE0] =	vst v33  }
0xa8: {  	v33 =	vld.idx.msk [tilespmem:v34+s2+$0x0], $0xffff;
	_ =	sdelay $0x1  }
0xa9: {  	v34 =	vadd.s32 v16, v32;
	_ =	sdelay $0x3  }
0xaa: {  	[tilespmem:s12+$0xFFFFFFF0] =	vst v33  }
0xab: {  	v33 =	vld.idx.msk [tilespmem:v34+s2+$0x0], $0xffff;
	_ =	sdelay $0x1  }
0xac: {  	v34 =	vadd.s32 v17, v32;
	_ =	sdelay $0x3  }
0xad: {  	[tilespmem:s12+$0x0] =	vst v33  }
0xae: {  	v33 =	vld.idx.msk [tilespmem:v34+s2+$0x0], $0xffff;
	_ =	sdelay $0x1  }
0xaf: {  	v34 =	vadd.s32 v18, v32;
	_ =	sdelay $0x3  }
0xb0: {  	[tilespmem:s12+$0x10] =	vst v33  }
0xb1: {  	v33 =	vld.idx.msk [tilespmem:v34+s2+$0x0], $0xffff;
	_ =	sdelay $0x1  }
0xb2: {  	v34 =	vadd.s32 v19, v32;
	_ =	sdelay $0x3  }
0xb3: {  	[tilespmem:s12+$0x20] =	vst v33  }
0xb4: {  	v33 =	vld.idx.msk [tilespmem:v34+s2+$0x0], $0xffff;
	_ =	sdelay $0x1  }
0xb5: {  	v34 =	vadd.s32 v20, v32;
	_ =	sdelay $0x3  }
0xb6: {  	[tilespmem:s12+$0x30] =	vst v33  }
0xb7: {  	v33 =	vld.idx.msk [tilespmem:v34+s2+$0x0], $0xffff;
	_ =	sdelay $0x1  }
0xb8: {  	v34 =	vadd.s32 v21, v32;
	_ =	sdelay $0x3  }
0xb9: {  	[tilespmem:s12+$0x40] =	vst v33  }
0xba: {  	v33 =	vld.idx.msk [tilespmem:v34+s2+$0x0], $0xffff;
	_ =	sdelay $0x1  }
0xbb: {  	v34 =	vadd.s32 v22, v32;
	_ =	sdelay $0x3  }
0xbc: {  	[tilespmem:s12+$0x50] =	vst v33  }
0xbd: {  	v33 =	vld.idx.msk [tilespmem:v34+s2+$0x0], $0xffff;
	_ =	sdelay $0x1  }
0xbe: {  	v34 =	vadd.s32 v23, v32;
	_ =	sdelay $0x3  }
0xbf: {  	[tilespmem:s12+$0x60] =	vst v33  }
0xc0: {  	v33 =	vld.idx.msk [tilespmem:v34+s2+$0x0], $0xffff;
	_ =	sdelay $0x1  }
0xc1: {  	v34 =	vadd.s32 v24, v32;
	_ =	sdelay $0x3  }
0xc2: {  	[tilespmem:s12+$0x70] =	vst v33  }
0xc3: {  	v33 =	vld.idx.msk [tilespmem:v34+s2+$0x0], $0xffff;
	_ =	sdelay $0x1  }
0xc4: {  	v34 =	vadd.s32 v25, v32;
	_ =	sdelay $0x3  }
0xc5: {  	[tilespmem:s12+$0x80] =	vst v33  }
0xc6: {  	v33 =	vld.idx.msk [tilespmem:v34+s2+$0x0], $0xffff;
	_ =	sdelay $0x1  }
0xc7: {  	v34 =	vadd.s32 v26, v32;
	_ =	sdelay $0x3  }
0xc8: {  	[tilespmem:s12+$0x90] =	vst v33  }
0xc9: {  	v33 =	vld.idx.msk [tilespmem:v34+s2+$0x0], $0xffff;
	_ =	sdelay $0x1  }
0xca: {  	v34 =	vadd.s32 v27, v32;
	_ =	sdelay $0x3  }
0xcb: {  	[tilespmem:s12+$0xA0] =	vst v33  }
0xcc: {  	v33 =	vld.idx.msk [tilespmem:v34+s2+$0x0], $0xffff;
	_ =	sdelay $0x1  }
0xcd: {  	v34 =	vadd.s32 v28, v32;
	_ =	sdelay $0x3  }
0xce: {  	[tilespmem:s12+$0xB0] =	vst v33  }
0xcf: {  	v33 =	vld.idx.msk [tilespmem:v34+s2+$0x0], $0xffff;
	_ =	sdelay $0x1  }
0xd0: {  	v34 =	vadd.s32 v29, v32;
	_ =	sdelay $0x3  }
0xd1: {  	[tilespmem:s12+$0xC0] =	vst v33  }
0xd2: {  	v33 =	vld.idx.msk [tilespmem:v34+s2+$0x0], $0xffff;
	_ =	sdelay $0x1  }
0xd3: {  	v34 =	vadd.s32 v30, v32;
	_ =	sdelay $0x3  }
0xd4: {  	[tilespmem:s12+$0xD0] =	vst v33  }
0xd5: {  	v33 =	vld.idx.msk [tilespmem:v34+s2+$0x0], $0xffff;
	_ =	sdelay $0x1  }
0xd6: {  	v34 =	vadd.s32 v31, v32  }
.Ltmp0:
0xd7: {  	(pc) =	sbr.rel @p0 .LBB2_2-.Ltmp0, $3  }
0xd8: {  	_ =	sdelay $0x1  }
0xd9: {  	[tilespmem:s12+$0xE0] =	vst v33  }
0xda: {  	v32 =	vmov s14;
	s14 =	sadd.s32 $0x1, s14;
	v33 =	vld.idx.msk [tilespmem:v34+s2+$0x0], $0xffff  }
0xdb: {  	v32 =	vand.u32 $0x3F, v32  }
0xdc: {  	v34 =	vadd.s32 v0, v32;
	_ =	sdelay $0x3  }
0xdd: {  	[tilespmem:s12+$0xF0] =	vst v33  }
0xde: {  	v33 =	vld.idx.msk [tilespmem:v34+s2+$0x0], $0xffff  }
0xdf: {  	v62 =	vadd.s32 v1, v32;
	_ =	sdelay $0x2  }
0xe0: {  	s9 =	sadd.s32 $0x200, s12  }
0xe1: {  	[tilespmem:s9+$0xFFFFFF00] =	vst v33  }
0xe2: {  	v33 =	vld.idx.msk [tilespmem:v62+s2+$0x0], $0xffff  }
0xe3: {  	v63 =	vadd.s32 v2, v32;
	_ =	sdelay $0x3  }
0xe4: {  	[tilespmem:s9+$0xFFFFFF10] =	vst v33  }
0xe5: {  	v33 =	vld.idx.msk [tilespmem:v63+s2+$0x0], $0xffff  }
0xe6: {  	v36 =	vadd.s32 v3, v32;
	_ =	sdelay $0x3  }
0xe7: {  	[tilespmem:s9+$0xFFFFFF20] =	vst v33  }
0xe8: {  	v33 =	vld.idx.msk [tilespmem:v36+s2+$0x0], $0xffff  }
0xe9: {  	v37 =	vadd.s32 v4, v32;
	_ =	sdelay $0x3  }
0xea: {  	[tilespmem:s9+$0xFFFFFF30] =	vst v33  }
0xeb: {  	v33 =	vld.idx.msk [tilespmem:v37+s2+$0x0], $0xffff  }
0xec: {  	v38 =	vadd.s32 v5, v32;
	_ =	sdelay $0x3  }
0xed: {  	[tilespmem:s9+$0xFFFFFF40] =	vst v33  }
0xee: {  	v33 =	vld.idx.msk [tilespmem:v38+s2+$0x0], $0xffff  }
0xef: {  	v39 =	vadd.s32 v6, v32;
	_ =	sdelay $0x3  }
0xf0: {  	[tilespmem:s9+$0xFFFFFF50] =	vst v33  }
0xf1: {  	v33 =	vld.idx.msk [tilespmem:v39+s2+$0x0], $0xffff  }
0xf2: {  	v40 =	vadd.s32 v7, v32;
	_ =	sdelay $0x3  }
0xf3: {  	[tilespmem:s9+$0xFFFFFF60] =	vst v33  }
0xf4: {  	v33 =	vld.idx.msk [tilespmem:v40+s2+$0x0], $0xffff  }
0xf5: {  	v41 =	vadd.s32 v8, v32;
	_ =	sdelay $0x3  }
0xf6: {  	[tilespmem:s9+$0xFFFFFF70] =	vst v33  }
0xf7: {  	v33 =	vld.idx.msk [tilespmem:v41+s2+$0x0], $0xffff  }
0xf8: {  	v42 =	vadd.s32 v9, v32;
	_ =	sdelay $0x3  }
0xf9: {  	[tilespmem:s9+$0xFFFFFF80] =	vst v33  }
0xfa: {  	v33 =	vld.idx.msk [tilespmem:v42+s2+$0x0], $0xffff  }
0xfb: {  	v43 =	vadd.s32 v10, v32;
	_ =	sdelay $0x3  }
0xfc: {  	[tilespmem:s9+$0xFFFFFF90] =	vst v33  }
0xfd: {  	v33 =	vld.idx.msk [tilespmem:v43+s2+$0x0], $0xffff  }
0xfe: {  	v44 =	vadd.s32 v11, v32;
	_ =	sdelay $0x3  }
0xff: {  	[tilespmem:s9+$0xFFFFFFA0] =	vst v33  }
0x100: {  	v33 =	vld.idx.msk [tilespmem:v44+s2+$0x0], $0xffff  }
0x101: {  	v45 =	vadd.s32 v12, v32;
	_ =	sdelay $0x3  }
0x102: {  	[tilespmem:s9+$0xFFFFFFB0] =	vst v33  }
0x103: {  	v33 =	vld.idx.msk [tilespmem:v45+s2+$0x0], $0xffff  }
0x104: {  	v46 =	vadd.s32 v13, v32;
	_ =	sdelay $0x3  }
0x105: {  	[tilespmem:s9+$0xFFFFFFC0] =	vst v33  }
0x106: {  	v33 =	vld.idx.msk [tilespmem:v46+s2+$0x0], $0xffff  }
0x107: {  	v47 =	vadd.s32 v14, v32;
	_ =	sdelay $0x3  }
0x108: {  	[tilespmem:s9+$0xFFFFFFD0] =	vst v33  }
0x109: {  	v33 =	vld.idx.msk [tilespmem:v47+s2+$0x0], $0xffff  }
0x10a: {  	v48 =	vadd.s32 v15, v32;
	_ =	sdelay $0x3  }
0x10b: {  	[tilespmem:s9+$0xFFFFFFE0] =	vst v33  }
0x10c: {  	v33 =	vld.idx.msk [tilespmem:v48+s2+$0x0], $0xffff  }
0x10d: {  	v49 =	vadd.s32 v16, v32;
	_ =	sdelay $0x3  }
0x10e: {  	[tilespmem:s9+$0xFFFFFFF0] =	vst v33  }
0x10f: {  	v33 =	vld.idx.msk [tilespmem:v49+s2+$0x0], $0xffff  }
0x110: {  	v50 =	vadd.s32 v17, v32;
	_ =	sdelay $0x3  }
0x111: {  	[tilespmem:s9+$0x0] =	vst v33  }
0x112: {  	v33 =	vld.idx.msk [tilespmem:v50+s2+$0x0], $0xffff  }
0x113: {  	v51 =	vadd.s32 v18, v32;
	_ =	sdelay $0x3  }
0x114: {  	[tilespmem:s9+$0x10] =	vst v33  }
0x115: {  	v33 =	vld.idx.msk [tilespmem:v51+s2+$0x0], $0xffff  }
0x116: {  	v52 =	vadd.s32 v19, v32;
	_ =	sdelay $0x3  }
0x117: {  	[tilespmem:s9+$0x20] =	vst v33  }
0x118: {  	v33 =	vld.idx.msk [tilespmem:v52+s2+$0x0], $0xffff  }
0x119: {  	v53 =	vadd.s32 v20, v32;
	_ =	sdelay $0x3  }
0x11a: {  	[tilespmem:s9+$0x30] =	vst v33  }
0x11b: {  	v33 =	vld.idx.msk [tilespmem:v53+s2+$0x0], $0xffff  }
0x11c: {  	v54 =	vadd.s32 v21, v32;
	_ =	sdelay $0x3  }
0x11d: {  	[tilespmem:s9+$0x40] =	vst v33  }
0x11e: {  	v33 =	vld.idx.msk [tilespmem:v54+s2+$0x0], $0xffff  }
0x11f: {  	v55 =	vadd.s32 v22, v32;
	_ =	sdelay $0x3  }
0x120: {  	[tilespmem:s9+$0x50] =	vst v33  }
0x121: {  	v33 =	vld.idx.msk [tilespmem:v55+s2+$0x0], $0xffff  }
0x122: {  	v56 =	vadd.s32 v23, v32;
	_ =	sdelay $0x3  }
0x123: {  	[tilespmem:s9+$0x60] =	vst v33  }
0x124: {  	v33 =	vld.idx.msk [tilespmem:v56+s2+$0x0], $0xffff  }
0x125: {  	v57 =	vadd.s32 v24, v32;
	_ =	sdelay $0x3  }
0x126: {  	[tilespmem:s9+$0x70] =	vst v33  }
0x127: {  	v33 =	vld.idx.msk [tilespmem:v57+s2+$0x0], $0xffff  }
0x128: {  	v58 =	vadd.s32 v25, v32;
	_ =	sdelay $0x3  }
0x129: {  	[tilespmem:s9+$0x80] =	vst v33  }
0x12a: {  	v33 =	vld.idx.msk [tilespmem:v58+s2+$0x0], $0xffff  }
0x12b: {  	v59 =	vadd.s32 v26, v32;
	_ =	sdelay $0x3  }
0x12c: {  	[tilespmem:s9+$0x90] =	vst v33  }
0x12d: {  	v33 =	vld.idx.msk [tilespmem:v59+s2+$0x0], $0xffff  }
0x12e: {  	v60 =	vadd.s32 v27, v32;
	_ =	sdelay $0x3  }
0x12f: {  	[tilespmem:s9+$0xA0] =	vst v33  }
0x130: {  	v33 =	vld.idx.msk [tilespmem:v60+s2+$0x0], $0xffff  }
0x131: {  	v61 =	vadd.s32 v28, v32;
	_ =	sdelay $0x3  }
0x132: {  	[tilespmem:s9+$0xB0] =	vst v33  }
0x133: {  	v33 =	vld.idx.msk [tilespmem:v61+s2+$0x0], $0xffff  }
0x134: {  	v62 =	vadd.s32 v29, v32;
	_ =	sdelay $0x3  }
0x135: {  	[tilespmem:s9+$0xC0] =	vst v33  }
0x136: {  	v33 =	vld.idx.msk [tilespmem:v62+s2+$0x0], $0xffff  }
0x137: {  	v63 =	vadd.s32 v30, v32;
	_ =	sdelay $0x3  }
0x138: {  	[tilespmem:s9+$0xD0] =	vst v33  }
0x139: {  	v33 =	vld.idx.msk [tilespmem:v63+s2+$0x0], $0xffff  }
0x13a: {  	v32 =	vadd.s32 v31, v32;
	_ =	sdelay $0x3  }
0x13b: {  	[tilespmem:s9+$0xE0] =	vst v33  }
0x13c: {  	v32 =	vld.idx.msk [tilespmem:v32+s2+$0x0], $0xffff;
	_ =	sdelay $0x4  }
0x13d: {  	[tilespmem:s9+$0xF0] =	vst v32;
	s9 =	simm.s32 $0x7000  }
0x13e: {  	[tilespmem:s13], [sflag:$0x1] =	stream.indirect.gather [hbm4b:s3+s11], $0x20, s9, s11, $0xb8;
	[tilespmem:$0x15400] =	vst v63  }
0x13f: {  	s14 =	simm.s32 $0x7080  }
0x140: {  	[tilespmem:s15], [sflag:$0x1] =	stream.indirect.gather [hbm4b:s3+s11], $0x20, s14, s11, $0xb8;
	[tilespmem:$0x15400] =	vst v63  }
0x141: {  	_ = 	snop  }
0x142: {  	[tilespmem:s17], [sflag:$0x1] =	stream.indirect.gather [hbm4b:s3+s11], $0x20, s16, s11, $0xb8;
	[tilespmem:$0x15400] =	vst v63  }
0x143: {  	s18 =	simm.s32 $0x7180  }
0x144: {  	[tilespmem:s19], [sflag:$0x1] =	stream.indirect.gather [hbm4b:s3+s11], $0x20, s18, s11, $0xb8;
	[tilespmem:$0x15400] =	vst v63  }
0x145: {  	s22 =	simm.s32 $0x7200  }
0x146: {  	[tilespmem:s21], [sflag:$0x2] =	stream.indirect.gather [hbm4b:s3+s11], $0x20, s22, s11, $0xb8;
	[tilespmem:$0x15400] =	vst v63  }
0x147: {  	s24 =	simm.s32 $0x7280  }
0x148: {  	[tilespmem:s23], [sflag:$0x2] =	stream.indirect.gather [hbm4b:s3+s11], $0x20, s24, s11, $0xb8;
	[tilespmem:$0x15400] =	vst v63  }
0x149: {  	s12 =	simm.s32 $0x7300  }
0x14a: {  	[tilespmem:s25], [sflag:$0x2] =	stream.indirect.gather [hbm4b:s3+s11], $0x20, s12, s11, $0xb8;
	[tilespmem:$0x15400] =	vst v63  }
0x14b: {  	_ = 	snop  }
0x14c: {  	[tilespmem:s28], [sflag:$0x2] =	stream.indirect.gather [hbm4b:s3+s11], $0x20, s26, s11, $0xb8;
	[tilespmem:$0x15400] =	vst v63  }
0x14d: {  	_ =	swait.ge [sflag:s29], $0x4000  }
0x14e: {  	[sflag:s29] =	ssyncset.done $0x0  }
0x14f: {  	s14 =	simm.s32 $0x0;
	[sflag:s29] =	ssyncadd.s32 $0xFFFFC000  }
0x150: {  	[hbm4b:s5+s14] =	stream.linear.scatter [tilespmem:s13], [sflag:$0x3], $0x4000, $0x38;
	[tilespmem:$0x15400] =	vst v63  }
0x151: {  	_ =	swait.ge [sflag:s30], $0x4000  }
0x152: {  	[sflag:s30] =	ssyncset.done $0x0  }
0x153: {  	s18 =	simm.s32 $0x7400;
	[sflag:s30] =	ssyncadd.s32 $0xFFFFC000  }
0x154: {  	[tilespmem:s13], [sflag:$0x1] =	stream.indirect.gather [hbm4b:s3+s11], $0x20, s18, s11, $0xb8;
	[tilespmem:$0x15400] =	vst v63  }
0x155: {  	s22 =	simm.s32 $0x7480  }
0x156: {  	[tilespmem:s15], [sflag:$0x1] =	stream.indirect.gather [hbm4b:s3+s11], $0x20, s22, s11, $0xb8;
	[tilespmem:$0x15400] =	vst v63  }
0x157: {  	s24 =	simm.s32 $0x7500  }
0x158: {  	[tilespmem:s17], [sflag:$0x1] =	stream.indirect.gather [hbm4b:s3+s11], $0x20, s24, s11, $0xb8;
	[tilespmem:$0x15400] =	vst v63  }
0x159: {  	s12 =	simm.s32 $0x7580  }
0x15a: {  	[tilespmem:s19], [sflag:$0x1] =	stream.indirect.gather [hbm4b:s3+s11], $0x20, s12, s11, $0xb8;
	[tilespmem:$0x15400] =	vst v63  }
0x15b: {  	_ =	swait.ge [sflag:s31], $0x4000  }
0x15c: {  	[sflag:s31] =	ssyncset.done $0x0  }
0x15d: {  	[sflag:s31] =	ssyncadd.s32 $0xFFFFC000  }
0x15e: {  	[hbm4b:s8+s2] =	stream.linear.scatter [tilespmem:s21], [sflag:$0x4], $0x4000, $0x38;
	[tilespmem:$0x15400] =	vst v63  }
0x15f: {  	_ =	swait.ge [sflag:s1], $0x4000  }
0x160: {  	[sflag:s1] =	ssyncset.done $0x0  }
0x161: {  	s14 =	simm.s32 $0x7600;
	[sflag:s1] =	ssyncadd.s32 $0xFFFFC000  }
0x162: {  	[tilespmem:s21], [sflag:$0x2] =	stream.indirect.gather [hbm4b:s3+s11], $0x20, s14, s11, $0xb8;
	[tilespmem:$0x15400] =	vst v63  }
0x163: {  	s18 =	simm.s32 $0x7680  }
0x164: {  	[tilespmem:s23], [sflag:$0x2] =	stream.indirect.gather [hbm4b:s3+s11], $0x20, s18, s11, $0xb8;
	[tilespmem:$0x15400] =	vst v63  }
0x165: {  	s22 =	simm.s32 $0x7700  }
0x166: {  	[tilespmem:s25], [sflag:$0x2] =	stream.indirect.gather [hbm4b:s3+s11], $0x20, s22, s11, $0xb8;
	[tilespmem:$0x15400] =	vst v63  }
0x167: {  	s24 =	simm.s32 $0x7780  }
0x168: {  	[tilespmem:s28], [sflag:$0x2] =	stream.indirect.gather [hbm4b:s3+s11], $0x20, s24, s11, $0xb8;
	[tilespmem:$0x15400] =	vst v63  }
0x169: {  	_ =	swait.ge [sflag:s29], $0x4000  }
0x16a: {  	s9 =	smov.u32 s20;
	s12 =	simm.s32 $0x1000;
	[sflag:s29] =	ssyncset.done $0x0  }
0x16b: {  	s14 =	sadd.s32 $0x20000, s8;
	s18 =	sadd.s32 $0x20000, s20;
	[sflag:s29] =	ssyncadd.s32 $0xFFFFC000  }
.LBB2_4:
0x16c: {  	[hbm4b:s9+s2] =	stream.linear.scatter [tilespmem:s13], [sflag:$0x3], $0x4000, $0x38;
	[tilespmem:$0x15400] =	vst v63  }
0x16d: {  	s22 =	smov.u32 s12;
	s9 =	smov.u32 s18  }
0x16e: {  	p0 =	sne.s32 s12, $0x17000;
	s12 =	sadd.s32 $0x1000, s12;
	_ =	swait.ge [sflag:s30], $0x4000  }
0x16f: {  	s22 =	sshra.s32 s22, $0x2;
	[sflag:s30] =	ssyncset.done $0x0  }
0x170: {  	s24 =	sadd.s32 $0x7400, s22;
	[sflag:s30] =	ssyncadd.s32 $0xFFFFC000  }
0x171: {  	[tilespmem:s13], [sflag:$0x1] =	stream.indirect.gather [hbm4b:s3+s11], $0x20, s24, s11, $0xb8;
	[tilespmem:$0x15400] =	vst v63  }
0x172: {  	s24 =	sadd.s32 $0x7480, s22  }
0x173: {  	[tilespmem:s15], [sflag:$0x1] =	stream.indirect.gather [hbm4b:s3+s11], $0x20, s24, s11, $0xb8;
	[tilespmem:$0x15400] =	vst v63  }
0x174: {  	s24 =	sadd.s32 $0x7500, s22  }
0x175: {  	[tilespmem:s17], [sflag:$0x1] =	stream.indirect.gather [hbm4b:s3+s11], $0x20, s24, s11, $0xb8;
	[tilespmem:$0x15400] =	vst v63  }
0x176: {  	s24 =	sadd.s32 $0x7580, s22  }
0x177: {  	[tilespmem:s19], [sflag:$0x1] =	stream.indirect.gather [hbm4b:s3+s11], $0x20, s24, s11, $0xb8;
	[tilespmem:$0x15400] =	vst v63  }
0x178: {  	_ =	swait.ge [sflag:s31], $0x4000  }
0x179: {  	[sflag:s31] =	ssyncset.done $0x0  }
0x17a: {  	[sflag:s31] =	ssyncadd.s32 $0xFFFFC000  }
0x17b: {  	[hbm4b:s14+s2] =	stream.linear.scatter [tilespmem:s21], [sflag:$0x4], $0x4000, $0x38;
	[tilespmem:$0x15400] =	vst v63  }
0x17c: {  	_ =	swait.ge [sflag:s1], $0x4000  }
0x17d: {  	[sflag:s1] =	ssyncset.done $0x0  }
0x17e: {  	s24 =	sadd.s32 $0x7600, s22;
	[sflag:s1] =	ssyncadd.s32 $0xFFFFC000  }
0x17f: {  	[tilespmem:s21], [sflag:$0x2] =	stream.indirect.gather [hbm4b:s3+s11], $0x20, s24, s11, $0xb8;
	[tilespmem:$0x15400] =	vst v63  }
0x180: {  	s24 =	sadd.s32 $0x7680, s22  }
0x181: {  	[tilespmem:s23], [sflag:$0x2] =	stream.indirect.gather [hbm4b:s3+s11], $0x20, s24, s11, $0xb8;
	[tilespmem:$0x15400] =	vst v63  }
0x182: {  	s24 =	sadd.s32 $0x7700, s22  }
0x183: {  	[tilespmem:s25], [sflag:$0x2] =	stream.indirect.gather [hbm4b:s3+s11], $0x20, s24, s11, $0xb8;
	[tilespmem:$0x15400] =	vst v63  }
.Ltmp1:
0x184: {  	s22 =	sadd.s32 $0x7780, s22;
	(pc) =	sbr.rel @p0 .LBB2_4-.Ltmp1, $4  }
0x185: {  	[tilespmem:s28], [sflag:$0x2] =	stream.indirect.gather [hbm4b:s3+s11], $0x20, s22, s11, $0xb8;
	[tilespmem:$0x15400] =	vst v63  }
0x186: {  	_ =	swait.ge [sflag:s29], $0x4000  }
0x187: {  	[sflag:s29] =	ssyncset.done $0x0  }
0x188: {  	s18 =	sadd.s32 $0x20000, s18;
	s14 =	sadd.s32 $0x20000, s14;
	[sflag:s29] =	ssyncadd.s32 $0xFFFFC000  }
0x189: {  	[hbm4b:s9+s2] =	stream.linear.scatter [tilespmem:s13], [sflag:$0x3], $0x4000, $0x38;
	[tilespmem:$0x15400] =	vst v63  }
0x18a: {  	_ =	swait.ge [sflag:s31], $0x4000  }
0x18b: {  	[sflag:s31] =	ssyncset.done $0x0  }
0x18c: {  	s0 =	sadd.s32 $0x1, s0;
	[sflag:s31] =	ssyncadd.s32 $0xFFFFC000  }
0x18d: {  	[hbm4b:s6+s2] =	stream.linear.scatter [tilespmem:s21], [sflag:$0x4], $0x4000, $0x38;
	[tilespmem:$0x15400] =	vst v63  }
0x18e: {  	p0 =	sne.s32 s0, s7;
	_ =	swait.ge [sflag:s30], $0x4000  }
.Ltmp2:
0x18f: {  	[sflag:s30] =	ssyncset.done $0x0;
	(pc) =	sbr.rel @p0 .LBB2_1-.Ltmp2, $4  }
0x190: {  	[sflag:s30] =	ssyncadd.s32 $0xFFFFC000  }
0x191: {  	_ =	swait.ge [sflag:s1], $0x4000  }
0x192: {  	[sflag:s1] =	ssyncset.done $0x0  }
0x193: {  	[sflag:s1] =	ssyncadd.s32 $0xFFFFC000  }
0x194: {  	_ =	sfence.sel $0x180000  }
0x195: {  	[bflag:$0x0] =	sbarrier.arrive $0xFFFF  }
0x196: {  	_ =	strace $0x90000047  }
0x197: {  	s0 =	stileid.u32;
	[bflag:$0x2] =	sbarrier.arrive $0xFFFF  }
0x198: {  	p0 =	sne.s32 s0, $0x0;
	s0 =	rddreg [dreg:$0x2]  }
0x199: {  	s0 =	sadd.s32 @!p0 $0x100000, s0  }
0x19a: {  	[sflag:s0] =	ssyncadd.tile.s32 @!p0 $0x1;
	_ =	shalt  }
.Lfunc_end2:
_tile_overlayer_lowered:
.L_overlay_start_2:
0x19b: {  	(tag) =	ssettag $0x2  }
0x19c: {  	s0 =	rddreg [dreg:$0x0];
	s2 =	stileid.u32  }
0x19d: {  	s1 =	rddreg [dreg:$0x1];
	p0 =	sne.s32 s2, $0x0  }
0x19e: {  	s3 =	rddreg [dreg:$0x2];
	[bflag:$0x3] =	sbarrier.arrive $0xFFFF;
	s2 =	simm.s32 @!p0 $0x1C05  }
0x19f: {  	[timem:s3], [sflag:s2] =	dma.local @!p0 [hbm:s0], s1  }
0x1a0: {  	s0 =	simm.s32 @!p0 $0x5  }
0x1a1: {  	_ =	swait.ge @!p0 [sflag:s0], s1  }
0x1a2: {  	s1 =	ssub.s32 @!p0 $0x0, s1;
	[sflag:s0] =	ssyncset.done @!p0 $0x0  }
0x1a3: {  	[sflag:s0] =	ssyncadd.s32 @!p0 s1  }
0x1a4: {  	[bflag:$0x3] =	sbarrier.arrive $0xFFFF  }
0x1a5: {  	_ =	shalt  }

// kernel: sparse-core-data-format-call.cloned.1.call-start
scs
called_computation_lowered:
.L_overlay_start_0:
0x0: {  	s2 =	sld [smem:$0x3FD9]  }
0x1: {  	s3 =	sld [smem:$0x3FFE];
	_ =	sdelay $0x1  }
0x2: {  	s1 =	srdreg.scid  }
0x3: {  	s0 =	sand.u32 $0x1, s1  }
0x4: {  	s18 =	sshll.u32 s0, $0xA;
	s2 =	sadd.s32 s3, s2  }
0x5: {  	s2 =	sadd.s32 s2, s18  }
0x6: {  	[smem:$0x3FC6] =	sst s2  }
0x7: {  	_ = 	snop  }
0x8: {  	s2 =	sld [smem:$0x3FD0];
	(tm) =	ssettm $0x1  }
0x9: {  	s19 =	sld [smem:$0x3FFB];
	_ =	sdelay $0x3  }
0xa: {  	_ =	strace s19  }
0xb: {  	s3 =	sld [smem:$0x3FFC];
	_ =	sdelay $0x3  }
0xc: {  	_ =	strace s3  }
0xd: {  	s3 =	sld [smem:$0x3FFD];
	_ =	sdelay $0x3  }
0xe: {  	_ =	strace s3  }
0xf: {  	_ =	strace $0x8FFFFFFF  }
0x10: {  	s20 =	sld [smem:$0x3FDB];
	_ =	sdelay $0x1  }
0x11: {  	s4 =	simm.s32 $_scs_section_size  }
0x12: {  	s5 =	simm.s32 $_size__tile_overlayer_lowered;
	s6 =	simm.s32 $_tile_overlayer_lowered  }
0x13: {  	s23 =	simm.s32 $0x1BFF;
	s22 =	sshll.u32 s6, $0x1;
	s3 =	sadd.s32 s4, s20  }
0x14: {  	s7 =	simm.s32 $0x0;
	s21 =	sshll.u32 s5, $0x1;
	s5 =	sadd.s32 s22, s3  }
0x15: {  	[timem:s7], [sflag:s23] =	dma.local [hbm:s5], s21  }
0x16: {  	_ =	swait.ge [sflag:s23], s21  }
0x17: {  	s4 =	ssub.s32 $0x0, s21;
	[sflag:s23] =	ssyncset.done $0x0  }
0x18: {  	[sflag:s23] =	ssyncadd.s32 s4;
	_ =	sdelay $0x1  }
0x19: {  	s24 =	simm.s32 $0x1B8B  }
0x1a: {  	_ =	swait.ge [sflag:s24], $0x1  }
0x1b: {  	[sflag:s24] =	ssyncset.done $0x0  }
0x1c: {  	s26 =	simm.s32 $0x1B8E;
	s25 =	sld [smem:$0x3FFE];
	[sflag:s24] =	ssyncadd.s32 $0xFFFFFFFF  }
0x1d: {  	s27 =	simm.s32 $execute0_lowered;
	[smem:$0x3FD2] =	sst s26  }
0x1e: {  	s5 =	sshll.u32 s27, $0x1;
	_ =	strace $0x80000049;
	[dreg:$0x1] =	wrdreg $0xFFFFFFFF  }
0x1f: {  	s28 =	simm.s32 $_size_execute0_lowered;
	s3 =	sadd.s32 s3, s5;
	[dreg:$0x0] =	wrdreg $0x0  }
0x20: {  	s5 =	sshll.u32 s28, $0x1;
	[dreg:$0x2] =	wrdreg s3  }
0x21: {  	[dreg:$0x3] =	wrdreg s5  }
0x22: {  	[dreg:$0x4] =	wrdreg $0xC0  }
0x23: {  	_ =	task [dreg:s7], $0x5FFFF  }
0x24: {  	[dreg:$0x1] =	wrdreg $0xFFFFFFFF  }
0x25: {  	[dreg:$0x0] =	wrdreg $0x60  }
0x26: {  	[dreg:$0x2] =	wrdreg s25  }
0x27: {  	[dreg:$0x3] =	wrdreg s2  }
0x28: {  	[dreg:$0x4] =	wrdreg $0x9  }
0x29: {  	_ =	task.clear_ibuf [dreg:s7], $0x5FFFF;
	_ =	strace $0x90000049  }
0x2a: {  	s29 =	simm.s32 $0x9;
	_ =	strace $0x8000004B  }
0x2b: {  	_ =	swait.ge [sflag:s29], $0x1  }
0x2c: {  	[sflag:s29] =	ssyncadd.s32 $0xFFFFFFFF  }
0x2d: {  	_ =	strace $0x9000004B  }
0x2e: {  	_ =	sfence  }
0x2f: {  	s30 =	sld [smem:$0x0];
	_ =	sdelay $0x2  }
0x30: {  	s31 =	sshll.u32 s1, $0xD;
	s1 =	sshrl.u32 s1, $0x2  }
0x31: {  	s3 =	sand.u32 $0x4000, s31;
	s1 =	sadd.s32 s1, s30  }
0x32: {  	s0 =	sor.u32 s3, s0;
	s1 =	sshll.u32 s1, $0x11  }
0x33: {  	s0 =	sor.u32 s1, s0  }
0x34: {  	s0 =	sadd.s32 $0x8F2B, s0  }
0x35: {  	[sflag:s0] =	ssyncadd.remote.s32 $0x1  }
0x36: {  	_ =	sfence.sel $0xFFFF  }
0x37: {  	[dreg:$0x0] =	wrdreg $0xFFFFFFFF;
	(pc) =	sbr.abs _section_cstart, $3  }
0x38: {  	[dreg:$0x1] =	wrdreg $0xFFFFFFFF  }
0x39: {  	_ =	task.clear_ibuf [dreg:s7], $0x2FFFF;
	_ =	strace $0x9FFFFFFF  }
0x3a: {  	(tm) =	ssettm $0x7FFFFFFF  }
0x3b: {  	_ =	shalt  }
tec
execute0_lowered:
.L_overlay_start_1:
0x0: {  	(tag) =	ssettag $0x1  }
0x1: {  	s0 =	srdreg.scid  }
0x2: {  	s1 =	sshll.u32 s0, $0x4  }
0x3: {  	s0 =	stileid.u32;
	s1 =	sand.u32 $0x10, s1  }
0x4: {  	s7 =	rddreg [dreg:$0x0];
	s1 =	sor.u32 s0, s1  }
0x5: {  	s4 =	simm.s32 $0x1;
	s8 =	simm.s32 $0x2;
	s2 =	sshll.u32 s1, $0x7  }
0x6: {  	s13 =	simm.s32 $0x0;
	s9 =	simm.s32 $0x20000;
	s1 =	ssub.s32 $0x4000, s2  }
0x7: {  	s14 =	simm.s32 $0x0;
	s11 =	simm.s32 $0x0;
	s3 =	sand.u32 $0xF80, s1  }
0x8: {  	s12 =	simm.s32 $0x0;
	s5 =	sshrl.u32 s1, $0xC;
	p0 =	sne.s32 s3, $0x0  }
.Ltmp0:
0x9: {  	s1 =	rddreg [dreg:$0x2];
	s4 =	simm.s32 @!p0 $0x0;
	(pc) =	sbr.rel .LBB1_1-.Ltmp0, $4  }
0xa: {  	s6 =	sadd.s32 $0xA00, s7;
	s3 =	rddreg [dreg:$0x1];
	s5 =	sadd.s32 s4, s5  }
0xb: {  	_ =	strace $0x8000004A;
	s4 =	simm.s32 $0x1;
	s5 =	smul.u32 $0x19, s5  }
0xc: {  	s7 =	sadd.s32 $0x40A00, s7;
	s10 =	smov.u32 s2;
	[sflag:s4] =	ssyncpa.u1 $0x0  }
0xd: {  	p0 =	por $0x0, $0x0;
	[sflag:s8] =	ssyncpa.u1 $0x0;
	s8 =	sadd.s32 $0x1, s5  }
.LBB1_7:
0xe: {  	s15 =	sadd.s32 $0x1000, s10  }
0xf: {  	s13 =	sadd.s32 $0x2, s11;
	s17 =	smov.u32 s11;
	p2 =	sgt.s32 s15, $0x3FFF  }
0x10: {  	s17 =	smov.u32 @p2 s13  }
0x11: {  	s15 =	smov.u32 @p2 s2;
	p2 =	sgt.s32 s17, $0x31  }
0x12: {  	s17 =	simm.s32 @p2 $0x0;
	p2 =	sne.s32 s12, s8  }
.Ltmp1:
0x13: {  	p1 =	slt.u32 s12, $0x2;
	(pc) =	sbr.rel @!p2 .LBB1_8-.Ltmp1, $4  }
0x14: {  	s16 =	simm.s32 @!p1 $0x2  }
0x15: {  	s14 =	smov.u32 s11;
	p0 =	por !p0, !p0;
	_ =	swait.ge @!p1 [sflag:s16], $0x2000  }
0x16: {  	s13 =	smov.u32 s10;
	[sflag:s16] =	ssyncset.done @!p1 $0x0;
	s10 =	smov.u32 s15  }
0x17: {  	s12 =	sadd.s32 $0x1, s12;
	[sflag:s16] =	ssyncadd.s32 @!p1 $0xFFFFE000;
	s11 =	smov.u32 s17  }
.LBB1_1:
0x18: {  	p1 =	sge.u32 s12, s5  }
0x19: {  	s15 =	sxor.u32 @!p1 $0xFFFFFFFF, s12;
	s16 =	sshll.u32 @!p1 s11, $0x12  }
0x1a: {  	s17 =	sshll.u32 @!p1 s10, $0x4;
	s19 =	simm.s32 @!p1 $0x20;
	s20 =	simm.s32 @!p1 $0x80  }
0x1b: {  	s15 =	sshll.u32 @!p1 s15, $0xD;
	s17 =	sand.u32 @!p1 $0x3FFF0, s17;
	s18 =	sadd.s32 @!p1 s6, s16  }
0x1c: {  	s16 =	sadd.s32 @!p1 s16, s7;
	s15 =	sand.u32 @!p1 $0x2000, s15;
	s18 =	sadd.s32 @!p1 s17, s18  }
0x1d: {  	[tilespmem:s15], [sflag:$0x1] =	stream.strided.gather @!p1 [hbm4b:s18+s19], $0x1000, s20, s19, $0x38;
	[tilespmem:$0x8080] =	vst v63  }
0x1e: {  	s31 =	sadd.s32 $0xFFFFFFFF, s12;
	s16 =	sadd.s32 @!p1 s17, s16;
	s15 =	sor.u32 @!p1 $0x1000, s15  }
0x1f: {  	[tilespmem:s15], [sflag:$0x1] =	stream.strided.gather @!p1 [hbm4b:s16+s19], $0x1000, s20, s19, $0x38;
	[tilespmem:$0x8080] =	vst v63  }
0x20: {  	p1 =	sge.u32 s31, s5  }
.Ltmp2:
0x21: {  	_ = 	snop;
	(pc) =	sbr.rel @p1 .LBB1_7-.Ltmp2, $1  }
0x22: {  	_ =	sdelay $0x3  }
0x23: {  	s15 =	simm.s32 $0x1;
	s17 =	sand.u32 $0x1, s12  }
0x24: {  	_ =	swait.ge [sflag:s4], $0x2000;
	s15 =	simm.s32 @!p0 $0x0;
	s17 =	smul.u32 $0x8100, s17  }
0x25: {  	p2 =	por $0x1, $0x1;
	[sflag:s4] =	ssyncset.done $0x0;
	s16 =	smul.u32 $0x8100, s15  }
0x26: {  	s18 =	sshll.u32 s15, $0xF;
	[sflag:s4] =	ssyncadd.s32 $0xFFFFE000;
	s30 =	sshrl.u32 s17, $0x2  }
0x27: {  	s31 =	sshrl.u32 s18, $0x2;
	s18 =	simm.s32 $0x0;
	s16 =	sshrl.u32 s16, $0x2  }
0x28: {  	s15 =	sor.u32 $0x4000, s30;
	s17 =	sadd.s32 $0x10, s31;
	s16 =	sor.u32 $0x4000, s16  }
.LBB1_3:
0x29: {  	s19 =	sshll.u32 s18, $0xC  }
0x2a: {  	s19 =	sand.u32 $0x3FFFF000, s19  }
0x2b: {  	s20 =	sadd.s32 s19, s17  }
0x2c: {  	s31 =	smul.u32 $0x4080, s18;
	v1 =	vld [tilespmem:s20+$0x0]  }
0x2d: {  	v0 =	vld [tilespmem:s20+$0xFFFFFFF0]  }
0x2e: {  	s18 =	sshra.s32 s31, $0x2  }
0x2f: {  	s18 =	sadd.s32 s18, s16  }
0x30: {  	s21 =	sadd.s32 $0x0, s18  }
0x31: {  	p1 =	por p2, p2;
	s19 =	simm.s32 $0x4;
	s20 =	sadd.s32 $0x20, s20;
	[tilespmem:s21+$0x810 ss:$0x81] =	vst.msk $0xffff, v1  }
.LBB1_4:
0x32: {  	v1 =	vld [tilespmem:s20+$0x0];
	p2 =	sne.s32 s19, $0x1FC;
	[tilespmem:s21+$0x0 ss:$0x81] =	vst.msk $0xffff, v0;
	s21 =	smov.u32 s19;
	s19 =	sadd.s32 $0x4, s19  }
.Ltmp3:
0x33: {  	v0 =	vld [tilespmem:s20+$0xFFFFFFF0];
	(pc) =	sbr.rel @p2 .LBB1_4-.Ltmp3, $4  }
0x34: {  	_ = 	snop  }
0x35: {  	s21 =	sshra.s32 s21, $0x2  }
0x36: {  	s21 =	sadd.s32 s21, s18  }
0x37: {  	s20 =	sadd.s32 $0x20, s20;
	[tilespmem:s21+$0x810 ss:$0x81] =	vst.msk $0xffff, v1  }
.Ltmp4:
0x38: {  	(pc) =	sbr.rel @p1 .LBB1_3-.Ltmp4, $2  }
0x39: {  	_ =	sdelay $0x2  }
0x3a: {  	[tilespmem:s21+$0x0 ss:$0x81] =	vst.msk $0xffff, v0;
	s18 =	simm.s32 $0x1;
	p2 =	por $0x0, $0x0  }
0x3b: {  	s16 =	sshll.u32 s13, $0x3;
	s17 =	sand.u32 $0x78, s13;
	s14 =	sshll.u32 s14, $0x10  }
.Ltmp5:
0x3c: {  	s30 =	sand.u32 $0xF800, s13;
	s16 =	sand.u32 $0x3C00, s16;
	(pc) =	sbr.rel .LBB1_7-.Ltmp5, $4  }
0x3d: {  	s31 =	sand.u32 $0x7, s13;
	s14 =	sadd.s32 s3, s14;
	s16 =	sor.u32 s17, s16  }
0x3e: {  	s13 =	sshll.u32 s31, $0x12;
	s14 =	sadd.s32 s30, s14;
	s16 =	sshrl.u32 s16, $0x3  }
0x3f: {  	s13 =	sor.u32 $0x400, s13;
	s14 =	sadd.s32 s16, s14  }
0x40: {  	[hbm4b:s14+s13] =	stream.strided.scatter [tilespmem:s15], [sflag:$0x2], $0x2000, s9, s13, $0x20;
	[tilespmem:$0x8080] =	vst v63  }
.LBB1_8:
0x41: {  	_ =	sfence.sel $0x180000  }
0x42: {  	s2 =	simm.s32 $0x1;
	[bflag:$0x0] =	sbarrier.arrive $0xFFFF  }
0x43: {  	s31 =	simm.s32 $0x2;
	[sflag:s2] =	ssyncpa.u1 $0x1  }
0x44: {  	[sflag:s31] =	ssyncpa.u1 $0x1  }
0x45: {  	p0 =	sne.s32 s0, $0x0;
	_ =	strace $0x9000004A  }
0x46: {  	s0 =	sadd.s32 @!p0 $0x100000, s1;
	[bflag:$0x2] =	sbarrier.arrive $0xFFFF  }
0x47: {  	[sflag:s0] =	ssyncadd.tile.s32 @!p0 $0x1;
	_ =	shalt  }
.Lfunc_end1:
_tile_overlayer_lowered:
.L_overlay_start_2:
0x48: {  	(tag) =	ssettag $0x2  }
0x49: {  	s0 =	rddreg [dreg:$0x0];
	s2 =	stileid.u32  }
0x4a: {  	s1 =	rddreg [dreg:$0x1];
	p0 =	sne.s32 s2, $0x0  }
0x4b: {  	s3 =	rddreg [dreg:$0x2];
	[bflag:$0x3] =	sbarrier.arrive $0xFFFF;
	s2 =	simm.s32 @!p0 $0x1C01  }
0x4c: {  	[timem:s3], [sflag:s2] =	dma.local @!p0 [hbm:s0], s1  }
0x4d: {  	s0 =	simm.s32 @!p0 $0x1  }
0x4e: {  	_ =	swait.ge @!p0 [sflag:s0], s1  }
0x4f: {  	s1 =	ssub.s32 @!p0 $0x0, s1;
	[sflag:s0] =	ssyncset.done @!p0 $0x0  }
0x50: {  	[sflag:s0] =	ssyncadd.s32 @!p0 s1  }
0x51: {  	[bflag:$0x3] =	sbarrier.arrive $0xFFFF  }
0x52: {  	_ =	shalt  }

</sc_bundles>
